<compile_context>
chip_gen: v7x
topology: tpu7x:2x2x1
jax: 0.10.2.dev20260603
libtpu: 0.0.44.dev20260713+nightly
codegen_flags: <defaults>
</compile_context>

<pallas_src>
import functools

import jax
import jax.numpy as jnp
from jax import lax
from jax.experimental import pallas as pl
from jax.experimental.pallas import tpu as pltpu
from jax.experimental.pallas import tpu_sc as plsc

_N_RANKS = 20
_BATCH = 16384
_LOG2_BATCH = 14
_TOTAL = _BATCH * _N_RANKS
_NC, _NS, _L = 2, 16, 16
_NW = _NC * _NS
_BPW = _TOTAL // _NW
_S = 4
_SUB = _BPW // _S
_SUBV = _SUB // _L
_U = 8

_mesh = plsc.VectorSubcoreMesh(core_axis_name="c", subcore_axis_name="s")


@functools.partial(
    pl.kernel,
    mesh=_mesh,
    out_type=jax.ShapeDtypeStruct((_TOTAL,), jnp.float32),
    scratch_types=[
        pltpu.VMEM((_BPW,), jnp.int32),
        pltpu.VMEM((_BPW,), jnp.float32),
        pltpu.VMEM((32,), jnp.float32),
        pltpu.VMEM((7816,), jnp.float32),
        pltpu.VMEM((7816,), jnp.float32),
        pltpu.VMEM_SHARED((1000448,), jnp.float32),
        pltpu.SemaphoreType.DMA,
        pltpu.SemaphoreType.DMA,
        pltpu.SemaphoreType.DMA,
    ],
)
def _pbm_kernel(x_hbm, exam_hbm, rel_hbm, out_hbm,
                idx_v, rows_v, exam_v, tbufa, tbufb, tab_s, tsem, gsem, osem):
    wid = lax.axis_index("s") * _NC + lax.axis_index("c")
    base = wid * _BPW
    sid = lax.axis_index("s")
    _TCH = 1000448 // _NS
    _HOP = _TCH // 8

    tbase = sid * _TCH
    bufs = [tbufa, tbufb]
    loads = [
        pltpu.async_copy(
            rel_hbm.at[pl.ds(tbase + k * _HOP, _HOP)], bufs[k % 2], tsem)
        for k in range(2)
    ]
    for k in range(8):
        loads[k].wait()
        pltpu.sync_copy(bufs[k % 2], tab_s.at[pl.ds(tbase + k * _HOP, _HOP)])
        if k + 2 < 8:
            loads.append(pltpu.async_copy(
                rel_hbm.at[pl.ds(tbase + (k + 2) * _HOP, _HOP)],
                bufs[k % 2], tsem))
    pltpu.sync_copy(x_hbm.at[pl.ds(base, _BPW)], idx_v)
    plsc.subcore_barrier()
    gathers = [
        pltpu.async_copy(
            tab_s.at[idx_v.at[pl.ds(j * _SUB, _SUB)]],
            rows_v.at[pl.ds(j * _SUB, _SUB)],
            gsem,
        )
        for j in range(_S)
    ]

    pltpu.sync_copy(exam_hbm, exam_v)
    sig0 = 1.0 / (1.0 + jnp.exp(-exam_v[pl.ds(0, _L)]))
    sig1 = 1.0 / (1.0 + jnp.exp(-exam_v[pl.ds(_L, _L)]))

    def exam_splat(c):
        i0 = jnp.full((_L,), jnp.minimum(c, _L - 1), jnp.int32)
        i1 = jnp.full((_L,), jnp.clip(c - _L, 0, _L - 1), jnp.int32)
        g0 = sig0.at[i0].get(mode="promise_in_bounds")
        g1 = sig1.at[i1].get(mode="promise_in_bounds")
        return jnp.where(c < _L, g0, g1)

    c0 = base >> _LOG2_BATCH
    e0 = exam_splat(c0)
    e1 = exam_splat(c0 + 1)
    split = jnp.minimum(((c0 + 1) << _LOG2_BATCH) - base, _BPW) // _L

    outs = []
    for j in range(_S):
        gathers[j].wait()

        def body(k, carry, j=j):
            for u in range(_U):
                i = j * _SUBV + k * _U + u
                e = jnp.where(i < split, e0, e1)
                o = i * _L
                v = rows_v[pl.ds(o, _L)]
                rows_v[pl.ds(o, _L)] = e / (1.0 + jnp.exp(-v))
            return carry

        lax.fori_loop(0, _SUBV // _U, body, 0)
        outs.append(
            pltpu.async_copy(
                rows_v.at[pl.ds(j * _SUB, _SUB)],
                out_hbm.at[pl.ds(base + j * _SUB, _SUB)],
                osem,
            )
        )
    for c in outs:
        c.wait()


def kernel(x, exam_table, rel_table):
    x_cm = x.T.reshape(-1).astype(jnp.int32)
    exam_pad = jnp.pad(exam_table.reshape(-1), (0, 32 - _N_RANKS))
    rel_wide = jnp.concatenate(
        [rel_table.T, jnp.zeros((1, 448), jnp.float32)], axis=1)
    rel_flat = rel_wide.reshape(-1)
    out_cm = _pbm_kernel(x_cm, exam_pad, rel_flat)
    return out_cm.reshape(_N_RANKS, _BATCH).T

# --- scband reference (transcript-rebuilt; emitter-appended) ---
"""Pipeline reference for scband-position-based-model-74010876445296 (READ-ONLY COPY).

The authoritative reference and input builder live on the scoring server;
editing this copy changes nothing except your own understanding.
"""

import jax, jax.numpy as jnp
import numpy as np

N_DOCUMENTS = 1000000
N_RANKS = 20
BATCH = 16384


def setup_inputs(seed: int = 0) -> dict:
    key = jax.random.key(seed)
    k_x, k_exam, k_rel = jax.random.split(key, 3)
    x = jax.random.randint(k_x, (BATCH, N_RANKS), 0, N_DOCUMENTS, dtype=jnp.int64 if jax.config.jax_enable_x64 else jnp.int32)
    # flax nn.Embed default init: normal(stddev=1.0) scaled; use small normal
    exam_table = jax.random.normal(k_exam, (N_RANKS, 1), dtype=jnp.float32) * 0.1
    rel_table = jax.random.normal(k_rel, (N_DOCUMENTS, 1), dtype=jnp.float32) * 0.1
    return {"x": x, "exam_table": exam_table, "rel_table": rel_table}


def reference(x, exam_table, rel_table):
    # examination: Embed(n_ranks, 1) applied to arange(n_ranks), then sigmoid, squeeze -> [n_ranks]
    ranks = jnp.arange(N_RANKS)
    examination = jax.nn.sigmoid(jnp.take(exam_table, ranks, axis=0)).squeeze()
    # relevance: Embed(n_documents, 1) applied to x, then sigmoid, squeeze -> [batch, n_ranks]
    relevance = jax.nn.sigmoid(jnp.take(rel_table, x, axis=0)).squeeze()
    return examination * relevance

if __name__ == "__main__":
    import jax
    _d = setup_inputs()
    print(jax.jit(kernel)(*tuple(_d.values())))

</pallas_src>

<mosaic_0001>
#map = affine_map<(d0, d1) -> (0)>
module attributes {stable_mosaic.version = 14 : i64} {
  func.func @_pbm_kernel(%arg0: i32, %arg1: i32, %arg2: memref<327680xi32, #tpu.memory_space<hbm>>, %arg3: memref<32xf32, #tpu.memory_space<hbm>>, %arg4: memref<1000448xf32, #tpu.memory_space<hbm>>, %arg5: memref<327680xf32, #tpu.memory_space<hbm>>, %arg6: memref<10240xi32, #tpu.memory_space<vmem>>, %arg7: memref<10240xf32, #tpu.memory_space<vmem>>, %arg8: memref<32xf32, #tpu.memory_space<vmem>>, %arg9: memref<7816xf32, #tpu.memory_space<vmem>>, %arg10: memref<7816xf32, #tpu.memory_space<vmem>>, %arg11: memref<1000448xf32, #tpu.memory_space<vmem_shared>>, %arg12: memref<!tpu.dma_semaphore, #tpu.memory_space<semaphore_mem>>, %arg13: memref<!tpu.dma_semaphore, #tpu.memory_space<semaphore_mem>>, %arg14: memref<!tpu.dma_semaphore, #tpu.memory_space<semaphore_mem>>) attributes {dimension_semantics = [#tpu.dimension_semantics<core_parallel>, #tpu.dimension_semantics<subcore_parallel>], iteration_bounds = array<i64: 2, 16>, scalar_prefetch = 0 : i64, scratch_operands = 9 : i64, tpu.core_type = #tpu.core_type<sc_vector_subcore>, window_params = [{transform_indices = #map}, {transform_indices = #map}, {transform_indices = #map}, {transform_indices = #map}]} {
    %mul3A = arith.constant 2 : i32
    %mul3A_0 = arith.muli %arg1, %mul3A : i32
    %add3A = arith.addi %mul3A_0, %arg0 : i32
    %mul3A_1 = arith.constant 10240 : i32
    %mul3A_2 = arith.muli %add3A, %mul3A_1 : i32
    %mul3A_3 = arith.constant 62528 : i32
    %mul3A_4 = arith.muli %arg1, %mul3A_3 : i32
    %add3A_5 = arith.constant 0 : i32
    %add3A_6 = arith.addi %mul3A_4, %add3A_5 : i32
    %dma_start3A = tpu.memref_slice %arg4[%add3A_6] : memref<1000448xf32, #tpu.memory_space<hbm>> -> memref<7816xf32, #tpu.memory_space<hbm>>
    %dma_start3A_7 = tpu.memref_slice %arg4[%add3A_6] : memref<1000448xf32, #tpu.memory_space<hbm>> -> memref<7816xf32, #tpu.memory_space<hbm>>
    tpu.enqueue_dma source(%dma_start3A_7 : memref<7816xf32, #tpu.memory_space<hbm>>) target(%arg9 : memref<7816xf32, #tpu.memory_space<vmem>>) target_semaphore(%arg12 : memref<!tpu.dma_semaphore, #tpu.memory_space<semaphore_mem>>)
    %add3A_8 = arith.constant 7816 : i32
    %add3A_9 = arith.addi %mul3A_4, %add3A_8 : i32
    %dma_start3A_10 = tpu.memref_slice %arg4[%add3A_9] : memref<1000448xf32, #tpu.memory_space<hbm>> -> memref<7816xf32, #tpu.memory_space<hbm>>
    %dma_start3A_11 = tpu.memref_slice %arg4[%add3A_9] : memref<1000448xf32, #tpu.memory_space<hbm>> -> memref<7816xf32, #tpu.memory_space<hbm>>
    tpu.enqueue_dma source(%dma_start3A_11 : memref<7816xf32, #tpu.memory_space<hbm>>) target(%arg10 : memref<7816xf32, #tpu.memory_space<vmem>>) target_semaphore(%arg12 : memref<!tpu.dma_semaphore, #tpu.memory_space<semaphore_mem>>)
    %dma_wait3A = tpu.memref_slice %arg4[%add3A_6] : memref<1000448xf32, #tpu.memory_space<hbm>> -> memref<7816xf32, #tpu.memory_space<hbm>>
    %dma_wait3A_12 = tpu.memref_slice %arg4[%add3A_6] : memref<1000448xf32, #tpu.memory_space<hbm>> -> memref<7816xf32, #tpu.memory_space<hbm>>
    tpu.wait_dma2 semaphore(%arg12 : memref<!tpu.dma_semaphore, #tpu.memory_space<semaphore_mem>>) src(%dma_wait3A_12 : memref<7816xf32, #tpu.memory_space<hbm>>) dst(%arg9 : memref<7816xf32, #tpu.memory_space<vmem>>)
    %add3A_13 = arith.constant 0 : i32
    %add3A_14 = arith.addi %mul3A_4, %add3A_13 : i32
    "tpu.region"() ({
      %run_scoped3A = tpu.sem_alloc : memref<!tpu.dma_semaphore, #tpu.memory_space<semaphore_mem>>
      %dma_start3A_303 = tpu.memref_slice %arg11[%add3A_14] : memref<1000448xf32, #tpu.memory_space<vmem_shared>> -> memref<7816xf32, #tpu.memory_space<vmem_shared>>
      %dma_start3A_304 = tpu.memref_slice %arg11[%add3A_14] : memref<1000448xf32, #tpu.memory_space<vmem_shared>> -> memref<7816xf32, #tpu.memory_space<vmem_shared>>
      tpu.enqueue_dma source(%arg9 : memref<7816xf32, #tpu.memory_space<vmem>>) target(%dma_start3A_304 : memref<7816xf32, #tpu.memory_space<vmem_shared>>) target_semaphore(%run_scoped3A : memref<!tpu.dma_semaphore, #tpu.memory_space<semaphore_mem>>)
      %dma_wait3A_305 = tpu.memref_slice %arg11[%add3A_14] : memref<1000448xf32, #tpu.memory_space<vmem_shared>> -> memref<7816xf32, #tpu.memory_space<vmem_shared>>
      %dma_wait3A_306 = tpu.memref_slice %arg11[%add3A_14] : memref<1000448xf32, #tpu.memory_space<vmem_shared>> -> memref<7816xf32, #tpu.memory_space<vmem_shared>>
      tpu.wait_dma2 semaphore(%run_scoped3A : memref<!tpu.dma_semaphore, #tpu.memory_space<semaphore_mem>>) src(%arg9 : memref<7816xf32, #tpu.memory_space<vmem>>) dst(%dma_wait3A_306 : memref<7816xf32, #tpu.memory_space<vmem_shared>>)
      tpu.yield
    }) : () -> ()
    %add3A_15 = arith.constant 15632 : i32
    %add3A_16 = arith.addi %mul3A_4, %add3A_15 : i32
    %dma_start3A_17 = tpu.memref_slice %arg4[%add3A_16] : memref<1000448xf32, #tpu.memory_space<hbm>> -> memref<7816xf32, #tpu.memory_space<hbm>>
    %dma_start3A_18 = tpu.memref_slice %arg4[%add3A_16] : memref<1000448xf32, #tpu.memory_space<hbm>> -> memref<7816xf32, #tpu.memory_space<hbm>>
    tpu.enqueue_dma source(%dma_start3A_18 : memref<7816xf32, #tpu.memory_space<hbm>>) target(%arg9 : memref<7816xf32, #tpu.memory_space<vmem>>) target_semaphore(%arg12 : memref<!tpu.dma_semaphore, #tpu.memory_space<semaphore_mem>>)
    %dma_wait3A_19 = tpu.memref_slice %arg4[%add3A_9] : memref<1000448xf32, #tpu.memory_space<hbm>> -> memref<7816xf32, #tpu.memory_space<hbm>>
    %dma_wait3A_20 = tpu.memref_slice %arg4[%add3A_9] : memref<1000448xf32, #tpu.memory_space<hbm>> -> memref<7816xf32, #tpu.memory_space<hbm>>
    tpu.wait_dma2 semaphore(%arg12 : memref<!tpu.dma_semaphore, #tpu.memory_space<semaphore_mem>>) src(%dma_wait3A_20 : memref<7816xf32, #tpu.memory_space<hbm>>) dst(%arg10 : memref<7816xf32, #tpu.memory_space<vmem>>)
    %add3A_21 = arith.constant 7816 : i32
    %add3A_22 = arith.addi %mul3A_4, %add3A_21 : i32
    "tpu.region"() ({
      %run_scoped3A = tpu.sem_alloc : memref<!tpu.dma_semaphore, #tpu.memory_space<semaphore_mem>>
      %dma_start3A_303 = tpu.memref_slice %arg11[%add3A_22] : memref<1000448xf32, #tpu.memory_space<vmem_shared>> -> memref<7816xf32, #tpu.memory_space<vmem_shared>>
      %dma_start3A_304 = tpu.memref_slice %arg11[%add3A_22] : memref<1000448xf32, #tpu.memory_space<vmem_shared>> -> memref<7816xf32, #tpu.memory_space<vmem_shared>>
      tpu.enqueue_dma source(%arg10 : memref<7816xf32, #tpu.memory_space<vmem>>) target(%dma_start3A_304 : memref<7816xf32, #tpu.memory_space<vmem_shared>>) target_semaphore(%run_scoped3A : memref<!tpu.dma_semaphore, #tpu.memory_space<semaphore_mem>>)
      %dma_wait3A_305 = tpu.memref_slice %arg11[%add3A_22] : memref<1000448xf32, #tpu.memory_space<vmem_shared>> -> memref<7816xf32, #tpu.memory_space<vmem_shared>>
      %dma_wait3A_306 = tpu.memref_slice %arg11[%add3A_22] : memref<1000448xf32, #tpu.memory_space<vmem_shared>> -> memref<7816xf32, #tpu.memory_space<vmem_shared>>
      tpu.wait_dma2 semaphore(%run_scoped3A : memref<!tpu.dma_semaphore, #tpu.memory_space<semaphore_mem>>) src(%arg10 : memref<7816xf32, #tpu.memory_space<vmem>>) dst(%dma_wait3A_306 : memref<7816xf32, #tpu.memory_space<vmem_shared>>)
      tpu.yield
    }) : () -> ()
    %add3A_23 = arith.constant 23448 : i32
    %add3A_24 = arith.addi %mul3A_4, %add3A_23 : i32
    %dma_start3A_25 = tpu.memref_slice %arg4[%add3A_24] : memref<1000448xf32, #tpu.memory_space<hbm>> -> memref<7816xf32, #tpu.memory_space<hbm>>
    %dma_start3A_26 = tpu.memref_slice %arg4[%add3A_24] : memref<1000448xf32, #tpu.memory_space<hbm>> -> memref<7816xf32, #tpu.memory_space<hbm>>
    tpu.enqueue_dma source(%dma_start3A_26 : memref<7816xf32, #tpu.memory_space<hbm>>) target(%arg10 : memref<7816xf32, #tpu.memory_space<vmem>>) target_semaphore(%arg12 : memref<!tpu.dma_semaphore, #tpu.memory_space<semaphore_mem>>)
    %dma_wait3A_27 = tpu.memref_slice %arg4[%add3A_16] : memref<1000448xf32, #tpu.memory_space<hbm>> -> memref<7816xf32, #tpu.memory_space<hbm>>
    %dma_wait3A_28 = tpu.memref_slice %arg4[%add3A_16] : memref<1000448xf32, #tpu.memory_space<hbm>> -> memref<7816xf32, #tpu.memory_space<hbm>>
    tpu.wait_dma2 semaphore(%arg12 : memref<!tpu.dma_semaphore, #tpu.memory_space<semaphore_mem>>) src(%dma_wait3A_28 : memref<7816xf32, #tpu.memory_space<hbm>>) dst(%arg9 : memref<7816xf32, #tpu.memory_space<vmem>>)
    %add3A_29 = arith.constant 15632 : i32
    %add3A_30 = arith.addi %mul3A_4, %add3A_29 : i32
    "tpu.region"() ({
      %run_scoped3A = tpu.sem_alloc : memref<!tpu.dma_semaphore, #tpu.memory_space<semaphore_mem>>
      %dma_start3A_303 = tpu.memref_slice %arg11[%add3A_30] : memref<1000448xf32, #tpu.memory_space<vmem_shared>> -> memref<7816xf32, #tpu.memory_space<vmem_shared>>
      %dma_start3A_304 = tpu.memref_slice %arg11[%add3A_30] : memref<1000448xf32, #tpu.memory_space<vmem_shared>> -> memref<7816xf32, #tpu.memory_space<vmem_shared>>
      tpu.enqueue_dma source(%arg9 : memref<7816xf32, #tpu.memory_space<vmem>>) target(%dma_start3A_304 : memref<7816xf32, #tpu.memory_space<vmem_shared>>) target_semaphore(%run_scoped3A : memref<!tpu.dma_semaphore, #tpu.memory_space<semaphore_mem>>)
      %dma_wait3A_305 = tpu.memref_slice %arg11[%add3A_30] : memref<1000448xf32, #tpu.memory_space<vmem_shared>> -> memref<7816xf32, #tpu.memory_space<vmem_shared>>
      %dma_wait3A_306 = tpu.memref_slice %arg11[%add3A_30] : memref<1000448xf32, #tpu.memory_space<vmem_shared>> -> memref<7816xf32, #tpu.memory_space<vmem_shared>>
      tpu.wait_dma2 semaphore(%run_scoped3A : memref<!tpu.dma_semaphore, #tpu.memory_space<semaphore_mem>>) src(%arg9 : memref<7816xf32, #tpu.memory_space<vmem>>) dst(%dma_wait3A_306 : memref<7816xf32, #tpu.memory_space<vmem_shared>>)
      tpu.yield
    }) : () -> ()
    %add3A_31 = arith.constant 31264 : i32
    %add3A_32 = arith.addi %mul3A_4, %add3A_31 : i32
    %dma_start3A_33 = tpu.memref_slice %arg4[%add3A_32] : memref<1000448xf32, #tpu.memory_space<hbm>> -> memref<7816xf32, #tpu.memory_space<hbm>>
    %dma_start3A_34 = tpu.memref_slice %arg4[%add3A_32] : memref<1000448xf32, #tpu.memory_space<hbm>> -> memref<7816xf32, #tpu.memory_space<hbm>>
    tpu.enqueue_dma source(%dma_start3A_34 : memref<7816xf32, #tpu.memory_space<hbm>>) target(%arg9 : memref<7816xf32, #tpu.memory_space<vmem>>) target_semaphore(%arg12 : memref<!tpu.dma_semaphore, #tpu.memory_space<semaphore_mem>>)
    %dma_wait3A_35 = tpu.memref_slice %arg4[%add3A_24] : memref<1000448xf32, #tpu.memory_space<hbm>> -> memref<7816xf32, #tpu.memory_space<hbm>>
    %dma_wait3A_36 = tpu.memref_slice %arg4[%add3A_24] : memref<1000448xf32, #tpu.memory_space<hbm>> -> memref<7816xf32, #tpu.memory_space<hbm>>
    tpu.wait_dma2 semaphore(%arg12 : memref<!tpu.dma_semaphore, #tpu.memory_space<semaphore_mem>>) src(%dma_wait3A_36 : memref<7816xf32, #tpu.memory_space<hbm>>) dst(%arg10 : memref<7816xf32, #tpu.memory_space<vmem>>)
    %add3A_37 = arith.constant 23448 : i32
    %add3A_38 = arith.addi %mul3A_4, %add3A_37 : i32
    "tpu.region"() ({
      %run_scoped3A = tpu.sem_alloc : memref<!tpu.dma_semaphore, #tpu.memory_space<semaphore_mem>>
      %dma_start3A_303 = tpu.memref_slice %arg11[%add3A_38] : memref<1000448xf32, #tpu.memory_space<vmem_shared>> -> memref<7816xf32, #tpu.memory_space<vmem_shared>>
      %dma_start3A_304 = tpu.memref_slice %arg11[%add3A_38] : memref<1000448xf32, #tpu.memory_space<vmem_shared>> -> memref<7816xf32, #tpu.memory_space<vmem_shared>>
      tpu.enqueue_dma source(%arg10 : memref<7816xf32, #tpu.memory_space<vmem>>) target(%dma_start3A_304 : memref<7816xf32, #tpu.memory_space<vmem_shared>>) target_semaphore(%run_scoped3A : memref<!tpu.dma_semaphore, #tpu.memory_space<semaphore_mem>>)
      %dma_wait3A_305 = tpu.memref_slice %arg11[%add3A_38] : memref<1000448xf32, #tpu.memory_space<vmem_shared>> -> memref<7816xf32, #tpu.memory_space<vmem_shared>>
      %dma_wait3A_306 = tpu.memref_slice %arg11[%add3A_38] : memref<1000448xf32, #tpu.memory_space<vmem_shared>> -> memref<7816xf32, #tpu.memory_space<vmem_shared>>
      tpu.wait_dma2 semaphore(%run_scoped3A : memref<!tpu.dma_semaphore, #tpu.memory_space<semaphore_mem>>) src(%arg10 : memref<7816xf32, #tpu.memory_space<vmem>>) dst(%dma_wait3A_306 : memref<7816xf32, #tpu.memory_space<vmem_shared>>)
      tpu.yield
    }) : () -> ()
    %add3A_39 = arith.constant 39080 : i32
    %add3A_40 = arith.addi %mul3A_4, %add3A_39 : i32
    %dma_start3A_41 = tpu.memref_slice %arg4[%add3A_40] : memref<1000448xf32, #tpu.memory_space<hbm>> -> memref<7816xf32, #tpu.memory_space<hbm>>
    %dma_start3A_42 = tpu.memref_slice %arg4[%add3A_40] : memref<1000448xf32, #tpu.memory_space<hbm>> -> memref<7816xf32, #tpu.memory_space<hbm>>
    tpu.enqueue_dma source(%dma_start3A_42 : memref<7816xf32, #tpu.memory_space<hbm>>) target(%arg10 : memref<7816xf32, #tpu.memory_space<vmem>>) target_semaphore(%arg12 : memref<!tpu.dma_semaphore, #tpu.memory_space<semaphore_mem>>)
    %dma_wait3A_43 = tpu.memref_slice %arg4[%add3A_32] : memref<1000448xf32, #tpu.memory_space<hbm>> -> memref<7816xf32, #tpu.memory_space<hbm>>
    %dma_wait3A_44 = tpu.memref_slice %arg4[%add3A_32] : memref<1000448xf32, #tpu.memory_space<hbm>> -> memref<7816xf32, #tpu.memory_space<hbm>>
    tpu.wait_dma2 semaphore(%arg12 : memref<!tpu.dma_semaphore, #tpu.memory_space<semaphore_mem>>) src(%dma_wait3A_44 : memref<7816xf32, #tpu.memory_space<hbm>>) dst(%arg9 : memref<7816xf32, #tpu.memory_space<vmem>>)
    %add3A_45 = arith.constant 31264 : i32
    %add3A_46 = arith.addi %mul3A_4, %add3A_45 : i32
    "tpu.region"() ({
      %run_scoped3A = tpu.sem_alloc : memref<!tpu.dma_semaphore, #tpu.memory_space<semaphore_mem>>
      %dma_start3A_303 = tpu.memref_slice %arg11[%add3A_46] : memref<1000448xf32, #tpu.memory_space<vmem_shared>> -> memref<7816xf32, #tpu.memory_space<vmem_shared>>
      %dma_start3A_304 = tpu.memref_slice %arg11[%add3A_46] : memref<1000448xf32, #tpu.memory_space<vmem_shared>> -> memref<7816xf32, #tpu.memory_space<vmem_shared>>
      tpu.enqueue_dma source(%arg9 : memref<7816xf32, #tpu.memory_space<vmem>>) target(%dma_start3A_304 : memref<7816xf32, #tpu.memory_space<vmem_shared>>) target_semaphore(%run_scoped3A : memref<!tpu.dma_semaphore, #tpu.memory_space<semaphore_mem>>)
      %dma_wait3A_305 = tpu.memref_slice %arg11[%add3A_46] : memref<1000448xf32, #tpu.memory_space<vmem_shared>> -> memref<7816xf32, #tpu.memory_space<vmem_shared>>
      %dma_wait3A_306 = tpu.memref_slice %arg11[%add3A_46] : memref<1000448xf32, #tpu.memory_space<vmem_shared>> -> memref<7816xf32, #tpu.memory_space<vmem_shared>>
      tpu.wait_dma2 semaphore(%run_scoped3A : memref<!tpu.dma_semaphore, #tpu.memory_space<semaphore_mem>>) src(%arg9 : memref<7816xf32, #tpu.memory_space<vmem>>) dst(%dma_wait3A_306 : memref<7816xf32, #tpu.memory_space<vmem_shared>>)
      tpu.yield
    }) : () -> ()
    %add3A_47 = arith.constant 46896 : i32
    %add3A_48 = arith.addi %mul3A_4, %add3A_47 : i32
    %dma_start3A_49 = tpu.memref_slice %arg4[%add3A_48] : memref<1000448xf32, #tpu.memory_space<hbm>> -> memref<7816xf32, #tpu.memory_space<hbm>>
    %dma_start3A_50 = tpu.memref_slice %arg4[%add3A_48] : memref<1000448xf32, #tpu.memory_space<hbm>> -> memref<7816xf32, #tpu.memory_space<hbm>>
    tpu.enqueue_dma source(%dma_start3A_50 : memref<7816xf32, #tpu.memory_space<hbm>>) target(%arg9 : memref<7816xf32, #tpu.memory_space<vmem>>) target_semaphore(%arg12 : memref<!tpu.dma_semaphore, #tpu.memory_space<semaphore_mem>>)
    %dma_wait3A_51 = tpu.memref_slice %arg4[%add3A_40] : memref<1000448xf32, #tpu.memory_space<hbm>> -> memref<7816xf32, #tpu.memory_space<hbm>>
    %dma_wait3A_52 = tpu.memref_slice %arg4[%add3A_40] : memref<1000448xf32, #tpu.memory_space<hbm>> -> memref<7816xf32, #tpu.memory_space<hbm>>
    tpu.wait_dma2 semaphore(%arg12 : memref<!tpu.dma_semaphore, #tpu.memory_space<semaphore_mem>>) src(%dma_wait3A_52 : memref<7816xf32, #tpu.memory_space<hbm>>) dst(%arg10 : memref<7816xf32, #tpu.memory_space<vmem>>)
    %add3A_53 = arith.constant 39080 : i32
    %add3A_54 = arith.addi %mul3A_4, %add3A_53 : i32
    "tpu.region"() ({
      %run_scoped3A = tpu.sem_alloc : memref<!tpu.dma_semaphore, #tpu.memory_space<semaphore_mem>>
      %dma_start3A_303 = tpu.memref_slice %arg11[%add3A_54] : memref<1000448xf32, #tpu.memory_space<vmem_shared>> -> memref<7816xf32, #tpu.memory_space<vmem_shared>>
      %dma_start3A_304 = tpu.memref_slice %arg11[%add3A_54] : memref<1000448xf32, #tpu.memory_space<vmem_shared>> -> memref<7816xf32, #tpu.memory_space<vmem_shared>>
      tpu.enqueue_dma source(%arg10 : memref<7816xf32, #tpu.memory_space<vmem>>) target(%dma_start3A_304 : memref<7816xf32, #tpu.memory_space<vmem_shared>>) target_semaphore(%run_scoped3A : memref<!tpu.dma_semaphore, #tpu.memory_space<semaphore_mem>>)
      %dma_wait3A_305 = tpu.memref_slice %arg11[%add3A_54] : memref<1000448xf32, #tpu.memory_space<vmem_shared>> -> memref<7816xf32, #tpu.memory_space<vmem_shared>>
      %dma_wait3A_306 = tpu.memref_slice %arg11[%add3A_54] : memref<1000448xf32, #tpu.memory_space<vmem_shared>> -> memref<7816xf32, #tpu.memory_space<vmem_shared>>
      tpu.wait_dma2 semaphore(%run_scoped3A : memref<!tpu.dma_semaphore, #tpu.memory_space<semaphore_mem>>) src(%arg10 : memref<7816xf32, #tpu.memory_space<vmem>>) dst(%dma_wait3A_306 : memref<7816xf32, #tpu.memory_space<vmem_shared>>)
      tpu.yield
    }) : () -> ()
    %add3A_55 = arith.constant 54712 : i32
    %add3A_56 = arith.addi %mul3A_4, %add3A_55 : i32
    %dma_start3A_57 = tpu.memref_slice %arg4[%add3A_56] : memref<1000448xf32, #tpu.memory_space<hbm>> -> memref<7816xf32, #tpu.memory_space<hbm>>
    %dma_start3A_58 = tpu.memref_slice %arg4[%add3A_56] : memref<1000448xf32, #tpu.memory_space<hbm>> -> memref<7816xf32, #tpu.memory_space<hbm>>
    tpu.enqueue_dma source(%dma_start3A_58 : memref<7816xf32, #tpu.memory_space<hbm>>) target(%arg10 : memref<7816xf32, #tpu.memory_space<vmem>>) target_semaphore(%arg12 : memref<!tpu.dma_semaphore, #tpu.memory_space<semaphore_mem>>)
    %dma_wait3A_59 = tpu.memref_slice %arg4[%add3A_48] : memref<1000448xf32, #tpu.memory_space<hbm>> -> memref<7816xf32, #tpu.memory_space<hbm>>
    %dma_wait3A_60 = tpu.memref_slice %arg4[%add3A_48] : memref<1000448xf32, #tpu.memory_space<hbm>> -> memref<7816xf32, #tpu.memory_space<hbm>>
    tpu.wait_dma2 semaphore(%arg12 : memref<!tpu.dma_semaphore, #tpu.memory_space<semaphore_mem>>) src(%dma_wait3A_60 : memref<7816xf32, #tpu.memory_space<hbm>>) dst(%arg9 : memref<7816xf32, #tpu.memory_space<vmem>>)
    %add3A_61 = arith.constant 46896 : i32
    %add3A_62 = arith.addi %mul3A_4, %add3A_61 : i32
    "tpu.region"() ({
      %run_scoped3A = tpu.sem_alloc : memref<!tpu.dma_semaphore, #tpu.memory_space<semaphore_mem>>
      %dma_start3A_303 = tpu.memref_slice %arg11[%add3A_62] : memref<1000448xf32, #tpu.memory_space<vmem_shared>> -> memref<7816xf32, #tpu.memory_space<vmem_shared>>
      %dma_start3A_304 = tpu.memref_slice %arg11[%add3A_62] : memref<1000448xf32, #tpu.memory_space<vmem_shared>> -> memref<7816xf32, #tpu.memory_space<vmem_shared>>
      tpu.enqueue_dma source(%arg9 : memref<7816xf32, #tpu.memory_space<vmem>>) target(%dma_start3A_304 : memref<7816xf32, #tpu.memory_space<vmem_shared>>) target_semaphore(%run_scoped3A : memref<!tpu.dma_semaphore, #tpu.memory_space<semaphore_mem>>)
      %dma_wait3A_305 = tpu.memref_slice %arg11[%add3A_62] : memref<1000448xf32, #tpu.memory_space<vmem_shared>> -> memref<7816xf32, #tpu.memory_space<vmem_shared>>
      %dma_wait3A_306 = tpu.memref_slice %arg11[%add3A_62] : memref<1000448xf32, #tpu.memory_space<vmem_shared>> -> memref<7816xf32, #tpu.memory_space<vmem_shared>>
      tpu.wait_dma2 semaphore(%run_scoped3A : memref<!tpu.dma_semaphore, #tpu.memory_space<semaphore_mem>>) src(%arg9 : memref<7816xf32, #tpu.memory_space<vmem>>) dst(%dma_wait3A_306 : memref<7816xf32, #tpu.memory_space<vmem_shared>>)
      tpu.yield
    }) : () -> ()
    %dma_wait3A_63 = tpu.memref_slice %arg4[%add3A_56] : memref<1000448xf32, #tpu.memory_space<hbm>> -> memref<7816xf32, #tpu.memory_space<hbm>>
    %dma_wait3A_64 = tpu.memref_slice %arg4[%add3A_56] : memref<1000448xf32, #tpu.memory_space<hbm>> -> memref<7816xf32, #tpu.memory_space<hbm>>
    tpu.wait_dma2 semaphore(%arg12 : memref<!tpu.dma_semaphore, #tpu.memory_space<semaphore_mem>>) src(%dma_wait3A_64 : memref<7816xf32, #tpu.memory_space<hbm>>) dst(%arg10 : memref<7816xf32, #tpu.memory_space<vmem>>)
    %add3A_65 = arith.constant 54712 : i32
    %add3A_66 = arith.addi %mul3A_4, %add3A_65 : i32
    "tpu.region"() ({
      %run_scoped3A = tpu.sem_alloc : memref<!tpu.dma_semaphore, #tpu.memory_space<semaphore_mem>>
      %dma_start3A_303 = tpu.memref_slice %arg11[%add3A_66] : memref<1000448xf32, #tpu.memory_space<vmem_shared>> -> memref<7816xf32, #tpu.memory_space<vmem_shared>>
      %dma_start3A_304 = tpu.memref_slice %arg11[%add3A_66] : memref<1000448xf32, #tpu.memory_space<vmem_shared>> -> memref<7816xf32, #tpu.memory_space<vmem_shared>>
      tpu.enqueue_dma source(%arg10 : memref<7816xf32, #tpu.memory_space<vmem>>) target(%dma_start3A_304 : memref<7816xf32, #tpu.memory_space<vmem_shared>>) target_semaphore(%run_scoped3A : memref<!tpu.dma_semaphore, #tpu.memory_space<semaphore_mem>>)
      %dma_wait3A_305 = tpu.memref_slice %arg11[%add3A_66] : memref<1000448xf32, #tpu.memory_space<vmem_shared>> -> memref<7816xf32, #tpu.memory_space<vmem_shared>>
      %dma_wait3A_306 = tpu.memref_slice %arg11[%add3A_66] : memref<1000448xf32, #tpu.memory_space<vmem_shared>> -> memref<7816xf32, #tpu.memory_space<vmem_shared>>
      tpu.wait_dma2 semaphore(%run_scoped3A : memref<!tpu.dma_semaphore, #tpu.memory_space<semaphore_mem>>) src(%arg10 : memref<7816xf32, #tpu.memory_space<vmem>>) dst(%dma_wait3A_306 : memref<7816xf32, #tpu.memory_space<vmem_shared>>)
      tpu.yield
    }) : () -> ()
    "tpu.region"() ({
      %run_scoped3A = tpu.sem_alloc : memref<!tpu.dma_semaphore, #tpu.memory_space<semaphore_mem>>
      %dma_start3A_303 = tpu.memref_slice %arg2[%mul3A_2] : memref<327680xi32, #tpu.memory_space<hbm>> -> memref<10240xi32, #tpu.memory_space<hbm>>
      %dma_start3A_304 = tpu.memref_slice %arg2[%mul3A_2] : memref<327680xi32, #tpu.memory_space<hbm>> -> memref<10240xi32, #tpu.memory_space<hbm>>
      tpu.enqueue_dma source(%dma_start3A_304 : memref<10240xi32, #tpu.memory_space<hbm>>) target(%arg6 : memref<10240xi32, #tpu.memory_space<vmem>>) target_semaphore(%run_scoped3A : memref<!tpu.dma_semaphore, #tpu.memory_space<semaphore_mem>>)
      %dma_wait3A_305 = tpu.memref_slice %arg2[%mul3A_2] : memref<327680xi32, #tpu.memory_space<hbm>> -> memref<10240xi32, #tpu.memory_space<hbm>>
      %dma_wait3A_306 = tpu.memref_slice %arg2[%mul3A_2] : memref<327680xi32, #tpu.memory_space<hbm>> -> memref<10240xi32, #tpu.memory_space<hbm>>
      tpu.wait_dma2 semaphore(%run_scoped3A : memref<!tpu.dma_semaphore, #tpu.memory_space<semaphore_mem>>) src(%dma_wait3A_306 : memref<10240xi32, #tpu.memory_space<hbm>>) dst(%arg6 : memref<10240xi32, #tpu.memory_space<vmem>>)
      tpu.yield
    }) : () -> ()
    %barrier3A = arith.constant 0 : index
    tpu.barrier barrier_id(%barrier3A)
    %dma_start3A_67 = arith.constant 0 : i32
    %dma_start3A_68 = tpu.memref_slice %arg7[%dma_start3A_67] : memref<10240xf32, #tpu.memory_space<vmem>> -> memref<2560xf32, #tpu.memory_space<vmem>>
    %dma_start3A_69 = arith.constant 0 : i32
    %dma_start3A_70 = tpu.memref_slice %arg6[%dma_start3A_69] : memref<10240xi32, #tpu.memory_space<vmem>> -> memref<2560xi32, #tpu.memory_space<vmem>>
    %dma_start3A_71 = arith.constant 0 : i32
    %dma_start3A_72 = tpu.memref_slice %arg11[%dma_start3A_71] : memref<1000448xf32, #tpu.memory_space<vmem_shared>> -> memref<1000448xf32, #tpu.memory_space<vmem_shared>>
    tpu.enqueue_indirect_dma source(%dma_start3A_72 : memref<1000448xf32, #tpu.memory_space<vmem_shared>>) target(%dma_start3A_68 : memref<2560xf32, #tpu.memory_space<vmem>>) offsets(%dma_start3A_70 : memref<2560xi32, #tpu.memory_space<vmem>>) semaphore(%arg13 : memref<!tpu.dma_semaphore, #tpu.memory_space<semaphore_mem>>)
    %dma_start3A_73 = arith.constant 2560 : i32
    %dma_start3A_74 = tpu.memref_slice %arg7[%dma_start3A_73] : memref<10240xf32, #tpu.memory_space<vmem>> -> memref<2560xf32, #tpu.memory_space<vmem>>
    %dma_start3A_75 = arith.constant 2560 : i32
    %dma_start3A_76 = tpu.memref_slice %arg6[%dma_start3A_75] : memref<10240xi32, #tpu.memory_space<vmem>> -> memref<2560xi32, #tpu.memory_space<vmem>>
    %dma_start3A_77 = arith.constant 0 : i32
    %dma_start3A_78 = tpu.memref_slice %arg11[%dma_start3A_77] : memref<1000448xf32, #tpu.memory_space<vmem_shared>> -> memref<1000448xf32, #tpu.memory_space<vmem_shared>>
    tpu.enqueue_indirect_dma source(%dma_start3A_78 : memref<1000448xf32, #tpu.memory_space<vmem_shared>>) target(%dma_start3A_74 : memref<2560xf32, #tpu.memory_space<vmem>>) offsets(%dma_start3A_76 : memref<2560xi32, #tpu.memory_space<vmem>>) semaphore(%arg13 : memref<!tpu.dma_semaphore, #tpu.memory_space<semaphore_mem>>)
    %dma_start3A_79 = arith.constant 5120 : i32
    %dma_start3A_80 = tpu.memref_slice %arg7[%dma_start3A_79] : memref<10240xf32, #tpu.memory_space<vmem>> -> memref<2560xf32, #tpu.memory_space<vmem>>
    %dma_start3A_81 = arith.constant 5120 : i32
    %dma_start3A_82 = tpu.memref_slice %arg6[%dma_start3A_81] : memref<10240xi32, #tpu.memory_space<vmem>> -> memref<2560xi32, #tpu.memory_space<vmem>>
    %dma_start3A_83 = arith.constant 0 : i32
    %dma_start3A_84 = tpu.memref_slice %arg11[%dma_start3A_83] : memref<1000448xf32, #tpu.memory_space<vmem_shared>> -> memref<1000448xf32, #tpu.memory_space<vmem_shared>>
    tpu.enqueue_indirect_dma source(%dma_start3A_84 : memref<1000448xf32, #tpu.memory_space<vmem_shared>>) target(%dma_start3A_80 : memref<2560xf32, #tpu.memory_space<vmem>>) offsets(%dma_start3A_82 : memref<2560xi32, #tpu.memory_space<vmem>>) semaphore(%arg13 : memref<!tpu.dma_semaphore, #tpu.memory_space<semaphore_mem>>)
    %dma_start3A_85 = arith.constant 7680 : i32
    %dma_start3A_86 = tpu.memref_slice %arg7[%dma_start3A_85] : memref<10240xf32, #tpu.memory_space<vmem>> -> memref<2560xf32, #tpu.memory_space<vmem>>
    %dma_start3A_87 = arith.constant 7680 : i32
    %dma_start3A_88 = tpu.memref_slice %arg6[%dma_start3A_87] : memref<10240xi32, #tpu.memory_space<vmem>> -> memref<2560xi32, #tpu.memory_space<vmem>>
    %dma_start3A_89 = arith.constant 0 : i32
    %dma_start3A_90 = tpu.memref_slice %arg11[%dma_start3A_89] : memref<1000448xf32, #tpu.memory_space<vmem_shared>> -> memref<1000448xf32, #tpu.memory_space<vmem_shared>>
    tpu.enqueue_indirect_dma source(%dma_start3A_90 : memref<1000448xf32, #tpu.memory_space<vmem_shared>>) target(%dma_start3A_86 : memref<2560xf32, #tpu.memory_space<vmem>>) offsets(%dma_start3A_88 : memref<2560xi32, #tpu.memory_space<vmem>>) semaphore(%arg13 : memref<!tpu.dma_semaphore, #tpu.memory_space<semaphore_mem>>)
    "tpu.region"() ({
      %run_scoped3A = tpu.sem_alloc : memref<!tpu.dma_semaphore, #tpu.memory_space<semaphore_mem>>
      tpu.enqueue_dma source(%arg3 : memref<32xf32, #tpu.memory_space<hbm>>) target(%arg8 : memref<32xf32, #tpu.memory_space<vmem>>) target_semaphore(%run_scoped3A : memref<!tpu.dma_semaphore, #tpu.memory_space<semaphore_mem>>)
      tpu.wait_dma2 semaphore(%run_scoped3A : memref<!tpu.dma_semaphore, #tpu.memory_space<semaphore_mem>>) src(%arg3 : memref<32xf32, #tpu.memory_space<hbm>>) dst(%arg8 : memref<32xf32, #tpu.memory_space<vmem>>)
      tpu.yield
    }) : () -> ()
    %get3A = arith.constant 0 : index
    %get3A_91 = tpu.vector_load %arg8[%get3A] {strides = array<i32>} : memref<32xf32, #tpu.memory_space<vmem>>, vector<16xf32>,
    %get3A_92 = vector.shape_cast %get3A_91 : vector<16xf32> to vector<16xf32>
    %neg3A = arith.constant 0.000000e+00 : f32
    %neg3A_93 = vector.broadcast %neg3A : f32 to vector<16xf32>
    %neg3A_94 = arith.subf %neg3A_93, %get3A_92 : vector<16xf32>
    %exp3A = math.exp %neg3A_94 : vector<16xf32>
    %add3A_95 = arith.constant 1.000000e+00 : f32
    %add3A_96 = vector.broadcast %add3A_95 : f32 to vector<16xf32>
    %add3A_97 = arith.addf %add3A_96, %exp3A : vector<16xf32>
    %div3A = arith.constant 1.000000e+00 : f32
    %div3A_98 = vector.broadcast %div3A : f32 to vector<16xf32>
    %div3A_99 = arith.divf %div3A_98, %add3A_97 : vector<16xf32>
    %get3A_100 = arith.constant 16 : index
    %get3A_101 = tpu.vector_load %arg8[%get3A_100] {strides = array<i32>} : memref<32xf32, #tpu.memory_space<vmem>>, vector<16xf32>,
    %get3A_102 = vector.shape_cast %get3A_101 : vector<16xf32> to vector<16xf32>
    %neg3A_103 = arith.constant 0.000000e+00 : f32
    %neg3A_104 = vector.broadcast %neg3A_103 : f32 to vector<16xf32>
    %neg3A_105 = arith.subf %neg3A_104, %get3A_102 : vector<16xf32>
    %exp3A_106 = math.exp %neg3A_105 : vector<16xf32>
    %add3A_107 = arith.constant 1.000000e+00 : f32
    %add3A_108 = vector.broadcast %add3A_107 : f32 to vector<16xf32>
    %add3A_109 = arith.addf %add3A_108, %exp3A_106 : vector<16xf32>
    %div3A_110 = arith.constant 1.000000e+00 : f32
    %div3A_111 = vector.broadcast %div3A_110 : f32 to vector<16xf32>
    %div3A_112 = arith.divf %div3A_111, %add3A_109 : vector<16xf32>
    %shift_right_arithmetic3A = arith.constant 14 : i32
    %shift_right_arithmetic3A_113 = arith.shrsi %mul3A_2, %shift_right_arithmetic3A : i32
    %min3A = arith.constant 15 : i32
    %min3A_114 = arith.minsi %shift_right_arithmetic3A_113, %min3A : i32
    %broadcast_in_dim3A = vector.broadcast %min3A_114 : i32 to vector<16xi32>
    %sub3A = arith.constant 16 : i32
    %sub3A_115 = arith.subi %shift_right_arithmetic3A_113, %sub3A : i32
    %jit3A = arith.constant 0 : i32
    %jit3A_116 = arith.constant 15 : i32
    %max3A = arith.maxsi %jit3A, %sub3A_115 : i32
    %min3A_117 = arith.minsi %jit3A_116, %max3A : i32
    %broadcast_in_dim3A_118 = vector.broadcast %min3A_117 : i32 to vector<16xi32>
    %lt3A = arith.constant 0 : i32
    %lt3A_119 = vector.broadcast %lt3A : i32 to vector<16xi32>
    %lt3A_120 = arith.cmpi slt, %broadcast_in_dim3A, %lt3A_119 : vector<16xi32>
    %add3A_121 = arith.constant 16 : i32
    %add3A_122 = vector.broadcast %add3A_121 : i32 to vector<16xi32>
    %add3A_123 = arith.addi %broadcast_in_dim3A, %add3A_122 : vector<16xi32>
    %select_n3A = arith.select %lt3A_120, %add3A_123, %broadcast_in_dim3A : vector<16xi1>, vector<16xi32>
    %broadcast_in_dim3A_124 = vector.shape_cast %select_n3A : vector<16xi32> to vector<16x1xi32>
    %gather3A = vector.shape_cast %broadcast_in_dim3A_124 : vector<16x1xi32> to vector<16xi32>
    %gather3A_125 = tpu.dynamic_gather %div3A_99[%gather3A] in [0] : vector<16xf32>, vector<16xi32> -> vector<16xf32>
    %lt3A_126 = arith.constant 0 : i32
    %lt3A_127 = vector.broadcast %lt3A_126 : i32 to vector<16xi32>
    %lt3A_128 = arith.cmpi slt, %broadcast_in_dim3A_118, %lt3A_127 : vector<16xi32>
    %add3A_129 = arith.constant 16 : i32
    %add3A_130 = vector.broadcast %add3A_129 : i32 to vector<16xi32>
    %add3A_131 = arith.addi %broadcast_in_dim3A_118, %add3A_130 : vector<16xi32>
    %select_n3A_132 = arith.select %lt3A_128, %add3A_131, %broadcast_in_dim3A_118 : vector<16xi1>, vector<16xi32>
    %broadcast_in_dim3A_133 = vector.shape_cast %select_n3A_132 : vector<16xi32> to vector<16x1xi32>
    %gather3A_134 = vector.shape_cast %broadcast_in_dim3A_133 : vector<16x1xi32> to vector<16xi32>
    %gather3A_135 = tpu.dynamic_gather %div3A_112[%gather3A_134] in [0] : vector<16xf32>, vector<16xi32> -> vector<16xf32>
    %lt3A_136 = arith.constant 16 : i32
    %lt3A_137 = arith.cmpi slt, %shift_right_arithmetic3A_113, %lt3A_136 : i32
    %select_n3A_138 = arith.select %lt3A_137, %gather3A_125, %gather3A_135 : vector<16xf32>
    %add3A_139 = arith.constant 1 : i32
    %add3A_140 = arith.addi %shift_right_arithmetic3A_113, %add3A_139 : i32
    %min3A_141 = arith.constant 15 : i32
    %min3A_142 = arith.minsi %add3A_140, %min3A_141 : i32
    %broadcast_in_dim3A_143 = vector.broadcast %min3A_142 : i32 to vector<16xi32>
    %sub3A_144 = arith.constant 16 : i32
    %sub3A_145 = arith.subi %add3A_140, %sub3A_144 : i32
    %jit3A_146 = arith.constant 0 : i32
    %jit3A_147 = arith.constant 15 : i32
    %max3A_148 = arith.maxsi %jit3A_146, %sub3A_145 : i32
    %min3A_149 = arith.minsi %jit3A_147, %max3A_148 : i32
    %broadcast_in_dim3A_150 = vector.broadcast %min3A_149 : i32 to vector<16xi32>
    %lt3A_151 = arith.constant 0 : i32
    %lt3A_152 = vector.broadcast %lt3A_151 : i32 to vector<16xi32>
    %lt3A_153 = arith.cmpi slt, %broadcast_in_dim3A_143, %lt3A_152 : vector<16xi32>
    %add3A_154 = arith.constant 16 : i32
    %add3A_155 = vector.broadcast %add3A_154 : i32 to vector<16xi32>
    %add3A_156 = arith.addi %broadcast_in_dim3A_143, %add3A_155 : vector<16xi32>
    %select_n3A_157 = arith.select %lt3A_153, %add3A_156, %broadcast_in_dim3A_143 : vector<16xi1>, vector<16xi32>
    %broadcast_in_dim3A_158 = vector.shape_cast %select_n3A_157 : vector<16xi32> to vector<16x1xi32>
    %gather3A_159 = vector.shape_cast %broadcast_in_dim3A_158 : vector<16x1xi32> to vector<16xi32>
    %gather3A_160 = tpu.dynamic_gather %div3A_99[%gather3A_159] in [0] : vector<16xf32>, vector<16xi32> -> vector<16xf32>
    %lt3A_161 = arith.constant 0 : i32
    %lt3A_162 = vector.broadcast %lt3A_161 : i32 to vector<16xi32>
    %lt3A_163 = arith.cmpi slt, %broadcast_in_dim3A_150, %lt3A_162 : vector<16xi32>
    %add3A_164 = arith.constant 16 : i32
    %add3A_165 = vector.broadcast %add3A_164 : i32 to vector<16xi32>
    %add3A_166 = arith.addi %broadcast_in_dim3A_150, %add3A_165 : vector<16xi32>
    %select_n3A_167 = arith.select %lt3A_163, %add3A_166, %broadcast_in_dim3A_150 : vector<16xi1>, vector<16xi32>
    %broadcast_in_dim3A_168 = vector.shape_cast %select_n3A_167 : vector<16xi32> to vector<16x1xi32>
    %gather3A_169 = vector.shape_cast %broadcast_in_dim3A_168 : vector<16x1xi32> to vector<16xi32>
    %gather3A_170 = tpu.dynamic_gather %div3A_112[%gather3A_169] in [0] : vector<16xf32>, vector<16xi32> -> vector<16xf32>
    %lt3A_171 = arith.constant 16 : i32
    %lt3A_172 = arith.cmpi slt, %add3A_140, %lt3A_171 : i32
    %select_n3A_173 = arith.select %lt3A_172, %gather3A_160, %gather3A_170 : vector<16xf32>
    %add3A_174 = arith.constant 1 : i32
    %add3A_175 = arith.addi %shift_right_arithmetic3A_113, %add3A_174 : i32
    %shift_left3A = arith.constant 14 : i32
    %shift_left3A_176 = arith.shli %add3A_175, %shift_left3A : i32
    %sub3A_177 = arith.subi %shift_left3A_176, %mul3A_2 : i32
    %min3A_178 = arith.constant 10240 : i32
    %min3A_179 = arith.minsi %sub3A_177, %min3A_178 : i32
    %jit3A_180 = arith.constant 16 : i32
    %div3A_181 = arith.divsi %min3A_179, %jit3A_180 : i32
    %sign3A = arith.constant 0 : i32
    %sign3A_182 = arith.cmpi sgt, %min3A_179, %sign3A : i32
    %sign3A_183 = arith.extui %sign3A_182 : i1 to i32
    %sign3A_184 = arith.constant 0 : i32
    %sign3A_185 = arith.cmpi slt, %min3A_179, %sign3A_184 : i32
    %sign3A_186 = arith.extui %sign3A_185 : i1 to i32
    %sign3A_187 = arith.subi %sign3A_183, %sign3A_186 : i32
    %sign3A_188 = arith.constant 0 : i32
    %sign3A_189 = arith.cmpi sgt, %jit3A_180, %sign3A_188 : i32
    %sign3A_190 = arith.extui %sign3A_189 : i1 to i32
    %sign3A_191 = arith.constant 0 : i32
    %sign3A_192 = arith.cmpi slt, %jit3A_180, %sign3A_191 : i32
    %sign3A_193 = arith.extui %sign3A_192 : i1 to i32
    %sign3A_194 = arith.subi %sign3A_190, %sign3A_193 : i32
    %ne3A = arith.cmpi ne, %sign3A_187, %sign3A_194 : i32
    %rem3A = arith.remsi %min3A_179, %jit3A_180 : i32
    %ne3A_195 = arith.constant 0 : i32
    %ne3A_196 = arith.cmpi ne, %rem3A, %ne3A_195 : i32
    %and3A = arith.andi %ne3A, %ne3A_196 : i1
    %sub3A_197 = arith.constant 1 : i32
    %sub3A_198 = arith.subi %div3A_181, %sub3A_197 : i32
    %select_n3A_199 = arith.select %and3A, %sub3A_198, %div3A_181 : i32
    %dma_wait3A_200 = arith.constant 0 : i32
    %dma_wait3A_201 = tpu.memref_slice %arg7[%dma_wait3A_200] : memref<10240xf32, #tpu.memory_space<vmem>> -> memref<2560xf32, #tpu.memory_space<vmem>>
    %dma_wait3A_202 = arith.constant 0 : i32
    %dma_wait3A_203 = tpu.memref_slice %arg6[%dma_wait3A_202] : memref<10240xi32, #tpu.memory_space<vmem>> -> memref<2560xi32, #tpu.memory_space<vmem>>
    %dma_wait3A_204 = arith.constant 0 : i32
    %dma_wait3A_205 = tpu.memref_slice %arg11[%dma_wait3A_204] : memref<1000448xf32, #tpu.memory_space<vmem_shared>> -> memref<1000448xf32, #tpu.memory_space<vmem_shared>>
    tpu.wait_indirect_dma semaphore(%arg13 : memref<!tpu.dma_semaphore, #tpu.memory_space<semaphore_mem>>) src(%dma_wait3A_205 : memref<1000448xf32, #tpu.memory_space<vmem_shared>>) dst(%dma_wait3A_201 : memref<2560xf32, #tpu.memory_space<vmem>>)
    %scan3A = arith.constant 0 : i32
    %scan3A_206 = arith.constant 0 : i32
    %scan3A_207 = arith.constant 20 : i32
    %scan3A_208 = arith.addi %scan3A_206, %scan3A_207 : i32
    %scan3A_209 = arith.constant 1 : i32
    scf.for %scan3A_303 = %scan3A_206 to %scan3A_208 step %scan3A_209  : i32 {
      %mul3A_304 = arith.constant 8 : i32
      %mul3A_305 = arith.muli %scan3A_303, %mul3A_304 : i32
      %add3A_306 = arith.constant 0 : i32
      %add3A_307 = arith.addi %add3A_306, %mul3A_305 : i32
      %add3A_308 = arith.constant 0 : i32
      %add3A_309 = arith.addi %add3A_307, %add3A_308 : i32
      %lt3A_310 = arith.cmpi slt, %add3A_309, %select_n3A_199 : i32
      %select_n3A_311 = arith.select %lt3A_310, %select_n3A_138, %select_n3A_173 : vector<16xf32>
      %mul3A_312 = arith.constant 16 : i32
      %mul3A_313 = arith.muli %add3A_309, %mul3A_312 : i32
      %get3A_314 = arith.index_cast %mul3A_313 : i32 to index
      %get3A_315 = tpu.vector_load %arg7[%get3A_314] {strides = array<i32>} : memref<10240xf32, #tpu.memory_space<vmem>>, vector<16xf32>,
      %get3A_316 = vector.shape_cast %get3A_315 : vector<16xf32> to vector<16xf32>
      %neg3A_317 = arith.constant 0.000000e+00 : f32
      %neg3A_318 = vector.broadcast %neg3A_317 : f32 to vector<16xf32>
      %neg3A_319 = arith.subf %neg3A_318, %get3A_316 : vector<16xf32>
      %exp3A_320 = math.exp %neg3A_319 : vector<16xf32>
      %add3A_321 = arith.constant 1.000000e+00 : f32
      %add3A_322 = vector.broadcast %add3A_321 : f32 to vector<16xf32>
      %add3A_323 = arith.addf %add3A_322, %exp3A_320 : vector<16xf32>
      %div3A_324 = arith.divf %select_n3A_311, %add3A_323 : vector<16xf32>
      %swap3A = arith.index_cast %mul3A_313 : i32 to index
      %swap3A_325 = tpu.vector_load %arg7[%swap3A] {strides = array<i32>} : memref<10240xf32, #tpu.memory_space<vmem>>, vector<16xf32>,
      %swap3A_326 = vector.shape_cast %swap3A_325 : vector<16xf32> to vector<16xf32>
      %swap3A_327 = vector.shape_cast %div3A_324 : vector<16xf32> to vector<16xf32>
      tpu.vector_store %arg7[%swap3A], %swap3A_327 {strides = array<i32>} : memref<10240xf32, #tpu.memory_space<vmem>>, vector<16xf32>,
      %mul3A_328 = arith.constant 8 : i32
      %mul3A_329 = arith.muli %scan3A_303, %mul3A_328 : i32
      %add3A_330 = arith.constant 0 : i32
      %add3A_331 = arith.addi %add3A_330, %mul3A_329 : i32
      %add3A_332 = arith.constant 1 : i32
      %add3A_333 = arith.addi %add3A_331, %add3A_332 : i32
      %lt3A_334 = arith.cmpi slt, %add3A_333, %select_n3A_199 : i32
      %select_n3A_335 = arith.select %lt3A_334, %select_n3A_138, %select_n3A_173 : vector<16xf32>
      %mul3A_336 = arith.constant 16 : i32
      %mul3A_337 = arith.muli %add3A_333, %mul3A_336 : i32
      %get3A_338 = arith.index_cast %mul3A_337 : i32 to index
      %get3A_339 = tpu.vector_load %arg7[%get3A_338] {strides = array<i32>} : memref<10240xf32, #tpu.memory_space<vmem>>, vector<16xf32>,
      %get3A_340 = vector.shape_cast %get3A_339 : vector<16xf32> to vector<16xf32>
      %neg3A_341 = arith.constant 0.000000e+00 : f32
      %neg3A_342 = vector.broadcast %neg3A_341 : f32 to vector<16xf32>
      %neg3A_343 = arith.subf %neg3A_342, %get3A_340 : vector<16xf32>
      %exp3A_344 = math.exp %neg3A_343 : vector<16xf32>
      %add3A_345 = arith.constant 1.000000e+00 : f32
      %add3A_346 = vector.broadcast %add3A_345 : f32 to vector<16xf32>
      %add3A_347 = arith.addf %add3A_346, %exp3A_344 : vector<16xf32>
      %div3A_348 = arith.divf %select_n3A_335, %add3A_347 : vector<16xf32>
      %swap3A_349 = arith.index_cast %mul3A_337 : i32 to index
      %swap3A_350 = tpu.vector_load %arg7[%swap3A_349] {strides = array<i32>} : memref<10240xf32, #tpu.memory_space<vmem>>, vector<16xf32>,
      %swap3A_351 = vector.shape_cast %swap3A_350 : vector<16xf32> to vector<16xf32>
      %swap3A_352 = vector.shape_cast %div3A_348 : vector<16xf32> to vector<16xf32>
      tpu.vector_store %arg7[%swap3A_349], %swap3A_352 {strides = array<i32>} : memref<10240xf32, #tpu.memory_space<vmem>>, vector<16xf32>,
      %mul3A_353 = arith.constant 8 : i32
      %mul3A_354 = arith.muli %scan3A_303, %mul3A_353 : i32
      %add3A_355 = arith.constant 0 : i32
      %add3A_356 = arith.addi %add3A_355, %mul3A_354 : i32
      %add3A_357 = arith.constant 2 : i32
      %add3A_358 = arith.addi %add3A_356, %add3A_357 : i32
      %lt3A_359 = arith.cmpi slt, %add3A_358, %select_n3A_199 : i32
      %select_n3A_360 = arith.select %lt3A_359, %select_n3A_138, %select_n3A_173 : vector<16xf32>
      %mul3A_361 = arith.constant 16 : i32
      %mul3A_362 = arith.muli %add3A_358, %mul3A_361 : i32
      %get3A_363 = arith.index_cast %mul3A_362 : i32 to index
      %get3A_364 = tpu.vector_load %arg7[%get3A_363] {strides = array<i32>} : memref<10240xf32, #tpu.memory_space<vmem>>, vector<16xf32>,
      %get3A_365 = vector.shape_cast %get3A_364 : vector<16xf32> to vector<16xf32>
      %neg3A_366 = arith.constant 0.000000e+00 : f32
      %neg3A_367 = vector.broadcast %neg3A_366 : f32 to vector<16xf32>
      %neg3A_368 = arith.subf %neg3A_367, %get3A_365 : vector<16xf32>
      %exp3A_369 = math.exp %neg3A_368 : vector<16xf32>
      %add3A_370 = arith.constant 1.000000e+00 : f32
      %add3A_371 = vector.broadcast %add3A_370 : f32 to vector<16xf32>
      %add3A_372 = arith.addf %add3A_371, %exp3A_369 : vector<16xf32>
      %div3A_373 = arith.divf %select_n3A_360, %add3A_372 : vector<16xf32>
      %swap3A_374 = arith.index_cast %mul3A_362 : i32 to index
      %swap3A_375 = tpu.vector_load %arg7[%swap3A_374] {strides = array<i32>} : memref<10240xf32, #tpu.memory_space<vmem>>, vector<16xf32>,
      %swap3A_376 = vector.shape_cast %swap3A_375 : vector<16xf32> to vector<16xf32>
      %swap3A_377 = vector.shape_cast %div3A_373 : vector<16xf32> to vector<16xf32>
      tpu.vector_store %arg7[%swap3A_374], %swap3A_377 {strides = array<i32>} : memref<10240xf32, #tpu.memory_space<vmem>>, vector<16xf32>,
      %mul3A_378 = arith.constant 8 : i32
      %mul3A_379 = arith.muli %scan3A_303, %mul3A_378 : i32
      %add3A_380 = arith.constant 0 : i32
      %add3A_381 = arith.addi %add3A_380, %mul3A_379 : i32
      %add3A_382 = arith.constant 3 : i32
      %add3A_383 = arith.addi %add3A_381, %add3A_382 : i32
      %lt3A_384 = arith.cmpi slt, %add3A_383, %select_n3A_199 : i32
      %select_n3A_385 = arith.select %lt3A_384, %select_n3A_138, %select_n3A_173 : vector<16xf32>
      %mul3A_386 = arith.constant 16 : i32
      %mul3A_387 = arith.muli %add3A_383, %mul3A_386 : i32
      %get3A_388 = arith.index_cast %mul3A_387 : i32 to index
      %get3A_389 = tpu.vector_load %arg7[%get3A_388] {strides = array<i32>} : memref<10240xf32, #tpu.memory_space<vmem>>, vector<16xf32>,
      %get3A_390 = vector.shape_cast %get3A_389 : vector<16xf32> to vector<16xf32>
      %neg3A_391 = arith.constant 0.000000e+00 : f32
      %neg3A_392 = vector.broadcast %neg3A_391 : f32 to vector<16xf32>
      %neg3A_393 = arith.subf %neg3A_392, %get3A_390 : vector<16xf32>
      %exp3A_394 = math.exp %neg3A_393 : vector<16xf32>
      %add3A_395 = arith.constant 1.000000e+00 : f32
      %add3A_396 = vector.broadcast %add3A_395 : f32 to vector<16xf32>
      %add3A_397 = arith.addf %add3A_396, %exp3A_394 : vector<16xf32>
      %div3A_398 = arith.divf %select_n3A_385, %add3A_397 : vector<16xf32>
      %swap3A_399 = arith.index_cast %mul3A_387 : i32 to index
      %swap3A_400 = tpu.vector_load %arg7[%swap3A_399] {strides = array<i32>} : memref<10240xf32, #tpu.memory_space<vmem>>, vector<16xf32>,
      %swap3A_401 = vector.shape_cast %swap3A_400 : vector<16xf32> to vector<16xf32>
      %swap3A_402 = vector.shape_cast %div3A_398 : vector<16xf32> to vector<16xf32>
      tpu.vector_store %arg7[%swap3A_399], %swap3A_402 {strides = array<i32>} : memref<10240xf32, #tpu.memory_space<vmem>>, vector<16xf32>,
      %mul3A_403 = arith.constant 8 : i32
      %mul3A_404 = arith.muli %scan3A_303, %mul3A_403 : i32
      %add3A_405 = arith.constant 0 : i32
      %add3A_406 = arith.addi %add3A_405, %mul3A_404 : i32
      %add3A_407 = arith.constant 4 : i32
      %add3A_408 = arith.addi %add3A_406, %add3A_407 : i32
      %lt3A_409 = arith.cmpi slt, %add3A_408, %select_n3A_199 : i32
      %select_n3A_410 = arith.select %lt3A_409, %select_n3A_138, %select_n3A_173 : vector<16xf32>
      %mul3A_411 = arith.constant 16 : i32
      %mul3A_412 = arith.muli %add3A_408, %mul3A_411 : i32
      %get3A_413 = arith.index_cast %mul3A_412 : i32 to index
      %get3A_414 = tpu.vector_load %arg7[%get3A_413] {strides = array<i32>} : memref<10240xf32, #tpu.memory_space<vmem>>, vector<16xf32>,
      %get3A_415 = vector.shape_cast %get3A_414 : vector<16xf32> to vector<16xf32>
      %neg3A_416 = arith.constant 0.000000e+00 : f32
      %neg3A_417 = vector.broadcast %neg3A_416 : f32 to vector<16xf32>
      %neg3A_418 = arith.subf %neg3A_417, %get3A_415 : vector<16xf32>
      %exp3A_419 = math.exp %neg3A_418 : vector<16xf32>
      %add3A_420 = arith.constant 1.000000e+00 : f32
      %add3A_421 = vector.broadcast %add3A_420 : f32 to vector<16xf32>
      %add3A_422 = arith.addf %add3A_421, %exp3A_419 : vector<16xf32>
      %div3A_423 = arith.divf %select_n3A_410, %add3A_422 : vector<16xf32>
      %swap3A_424 = arith.index_cast %mul3A_412 : i32 to index
      %swap3A_425 = tpu.vector_load %arg7[%swap3A_424] {strides = array<i32>} : memref<10240xf32, #tpu.memory_space<vmem>>, vector<16xf32>,
      %swap3A_426 = vector.shape_cast %swap3A_425 : vector<16xf32> to vector<16xf32>
      %swap3A_427 = vector.shape_cast %div3A_423 : vector<16xf32> to vector<16xf32>
      tpu.vector_store %arg7[%swap3A_424], %swap3A_427 {strides = array<i32>} : memref<10240xf32, #tpu.memory_space<vmem>>, vector<16xf32>,
      %mul3A_428 = arith.constant 8 : i32
      %mul3A_429 = arith.muli %scan3A_303, %mul3A_428 : i32
      %add3A_430 = arith.constant 0 : i32
      %add3A_431 = arith.addi %add3A_430, %mul3A_429 : i32
      %add3A_432 = arith.constant 5 : i32
      %add3A_433 = arith.addi %add3A_431, %add3A_432 : i32
      %lt3A_434 = arith.cmpi slt, %add3A_433, %select_n3A_199 : i32
      %select_n3A_435 = arith.select %lt3A_434, %select_n3A_138, %select_n3A_173 : vector<16xf32>
      %mul3A_436 = arith.constant 16 : i32
      %mul3A_437 = arith.muli %add3A_433, %mul3A_436 : i32
      %get3A_438 = arith.index_cast %mul3A_437 : i32 to index
      %get3A_439 = tpu.vector_load %arg7[%get3A_438] {strides = array<i32>} : memref<10240xf32, #tpu.memory_space<vmem>>, vector<16xf32>,
      %get3A_440 = vector.shape_cast %get3A_439 : vector<16xf32> to vector<16xf32>
      %neg3A_441 = arith.constant 0.000000e+00 : f32
      %neg3A_442 = vector.broadcast %neg3A_441 : f32 to vector<16xf32>
      %neg3A_443 = arith.subf %neg3A_442, %get3A_440 : vector<16xf32>
      %exp3A_444 = math.exp %neg3A_443 : vector<16xf32>
      %add3A_445 = arith.constant 1.000000e+00 : f32
      %add3A_446 = vector.broadcast %add3A_445 : f32 to vector<16xf32>
      %add3A_447 = arith.addf %add3A_446, %exp3A_444 : vector<16xf32>
      %div3A_448 = arith.divf %select_n3A_435, %add3A_447 : vector<16xf32>
      %swap3A_449 = arith.index_cast %mul3A_437 : i32 to index
      %swap3A_450 = tpu.vector_load %arg7[%swap3A_449] {strides = array<i32>} : memref<10240xf32, #tpu.memory_space<vmem>>, vector<16xf32>,
      %swap3A_451 = vector.shape_cast %swap3A_450 : vector<16xf32> to vector<16xf32>
      %swap3A_452 = vector.shape_cast %div3A_448 : vector<16xf32> to vector<16xf32>
      tpu.vector_store %arg7[%swap3A_449], %swap3A_452 {strides = array<i32>} : memref<10240xf32, #tpu.memory_space<vmem>>, vector<16xf32>,
      %mul3A_453 = arith.constant 8 : i32
      %mul3A_454 = arith.muli %scan3A_303, %mul3A_453 : i32
      %add3A_455 = arith.constant 0 : i32
      %add3A_456 = arith.addi %add3A_455, %mul3A_454 : i32
      %add3A_457 = arith.constant 6 : i32
      %add3A_458 = arith.addi %add3A_456, %add3A_457 : i32
      %lt3A_459 = arith.cmpi slt, %add3A_458, %select_n3A_199 : i32
      %select_n3A_460 = arith.select %lt3A_459, %select_n3A_138, %select_n3A_173 : vector<16xf32>
      %mul3A_461 = arith.constant 16 : i32
      %mul3A_462 = arith.muli %add3A_458, %mul3A_461 : i32
      %get3A_463 = arith.index_cast %mul3A_462 : i32 to index
      %get3A_464 = tpu.vector_load %arg7[%get3A_463] {strides = array<i32>} : memref<10240xf32, #tpu.memory_space<vmem>>, vector<16xf32>,
      %get3A_465 = vector.shape_cast %get3A_464 : vector<16xf32> to vector<16xf32>
      %neg3A_466 = arith.constant 0.000000e+00 : f32
      %neg3A_467 = vector.broadcast %neg3A_466 : f32 to vector<16xf32>
      %neg3A_468 = arith.subf %neg3A_467, %get3A_465 : vector<16xf32>
      %exp3A_469 = math.exp %neg3A_468 : vector<16xf32>
      %add3A_470 = arith.constant 1.000000e+00 : f32
      %add3A_471 = vector.broadcast %add3A_470 : f32 to vector<16xf32>
      %add3A_472 = arith.addf %add3A_471, %exp3A_469 : vector<16xf32>
      %div3A_473 = arith.divf %select_n3A_460, %add3A_472 : vector<16xf32>
      %swap3A_474 = arith.index_cast %mul3A_462 : i32 to index
      %swap3A_475 = tpu.vector_load %arg7[%swap3A_474] {strides = array<i32>} : memref<10240xf32, #tpu.memory_space<vmem>>, vector<16xf32>,
      %swap3A_476 = vector.shape_cast %swap3A_475 : vector<16xf32> to vector<16xf32>
      %swap3A_477 = vector.shape_cast %div3A_473 : vector<16xf32> to vector<16xf32>
      tpu.vector_store %arg7[%swap3A_474], %swap3A_477 {strides = array<i32>} : memref<10240xf32, #tpu.memory_space<vmem>>, vector<16xf32>,
      %mul3A_478 = arith.constant 8 : i32
      %mul3A_479 = arith.muli %scan3A_303, %mul3A_478 : i32
      %add3A_480 = arith.constant 0 : i32
      %add3A_481 = arith.addi %add3A_480, %mul3A_479 : i32
      %add3A_482 = arith.constant 7 : i32
      %add3A_483 = arith.addi %add3A_481, %add3A_482 : i32
      %lt3A_484 = arith.cmpi slt, %add3A_483, %select_n3A_199 : i32
      %select_n3A_485 = arith.select %lt3A_484, %select_n3A_138, %select_n3A_173 : vector<16xf32>
      %mul3A_486 = arith.constant 16 : i32
      %mul3A_487 = arith.muli %add3A_483, %mul3A_486 : i32
      %get3A_488 = arith.index_cast %mul3A_487 : i32 to index
      %get3A_489 = tpu.vector_load %arg7[%get3A_488] {strides = array<i32>} : memref<10240xf32, #tpu.memory_space<vmem>>, vector<16xf32>,
      %get3A_490 = vector.shape_cast %get3A_489 : vector<16xf32> to vector<16xf32>
      %neg3A_491 = arith.constant 0.000000e+00 : f32
      %neg3A_492 = vector.broadcast %neg3A_491 : f32 to vector<16xf32>
      %neg3A_493 = arith.subf %neg3A_492, %get3A_490 : vector<16xf32>
      %exp3A_494 = math.exp %neg3A_493 : vector<16xf32>
      %add3A_495 = arith.constant 1.000000e+00 : f32
      %add3A_496 = vector.broadcast %add3A_495 : f32 to vector<16xf32>
      %add3A_497 = arith.addf %add3A_496, %exp3A_494 : vector<16xf32>
      %div3A_498 = arith.divf %select_n3A_485, %add3A_497 : vector<16xf32>
      %swap3A_499 = arith.index_cast %mul3A_487 : i32 to index
      %swap3A_500 = tpu.vector_load %arg7[%swap3A_499] {strides = array<i32>} : memref<10240xf32, #tpu.memory_space<vmem>>, vector<16xf32>,
      %swap3A_501 = vector.shape_cast %swap3A_500 : vector<16xf32> to vector<16xf32>
      %swap3A_502 = vector.shape_cast %div3A_498 : vector<16xf32> to vector<16xf32>
      tpu.vector_store %arg7[%swap3A_499], %swap3A_502 {strides = array<i32>} : memref<10240xf32, #tpu.memory_space<vmem>>, vector<16xf32>,
    }
    %scan3A_210 = arith.constant 20 : i32
    %add3A_211 = arith.constant 0 : i32
    %add3A_212 = arith.addi %mul3A_2, %add3A_211 : i32
    %dma_start3A_213 = arith.constant 0 : i32
    %dma_start3A_214 = tpu.memref_slice %arg7[%dma_start3A_213] : memref<10240xf32, #tpu.memory_space<vmem>> -> memref<2560xf32, #tpu.memory_space<vmem>>
    %dma_start3A_215 = tpu.memref_slice %arg5[%add3A_212] : memref<327680xf32, #tpu.memory_space<hbm>> -> memref<2560xf32, #tpu.memory_space<hbm>>
    %dma_start3A_216 = tpu.memref_slice %arg5[%add3A_212] : memref<327680xf32, #tpu.memory_space<hbm>> -> memref<2560xf32, #tpu.memory_space<hbm>>
    %dma_start3A_217 = arith.constant 0 : i32
    %dma_start3A_218 = tpu.memref_slice %arg7[%dma_start3A_217] : memref<10240xf32, #tpu.memory_space<vmem>> -> memref<2560xf32, #tpu.memory_space<vmem>>
    tpu.enqueue_dma source(%dma_start3A_218 : memref<2560xf32, #tpu.memory_space<vmem>>) target(%dma_start3A_216 : memref<2560xf32, #tpu.memory_space<hbm>>) target_semaphore(%arg14 : memref<!tpu.dma_semaphore, #tpu.memory_space<semaphore_mem>>)
    %dma_wait3A_219 = arith.constant 2560 : i32
    %dma_wait3A_220 = tpu.memref_slice %arg7[%dma_wait3A_219] : memref<10240xf32, #tpu.memory_space<vmem>> -> memref<2560xf32, #tpu.memory_space<vmem>>
    %dma_wait3A_221 = arith.constant 2560 : i32
    %dma_wait3A_222 = tpu.memref_slice %arg6[%dma_wait3A_221] : memref<10240xi32, #tpu.memory_space<vmem>> -> memref<2560xi32, #tpu.memory_space<vmem>>
    %dma_wait3A_223 = arith.constant 0 : i32
    %dma_wait3A_224 = tpu.memref_slice %arg11[%dma_wait3A_223] : memref<1000448xf32, #tpu.memory_space<vmem_shared>> -> memref<1000448xf32, #tpu.memory_space<vmem_shared>>
    tpu.wait_indirect_dma semaphore(%arg13 : memref<!tpu.dma_semaphore, #tpu.memory_space<semaphore_mem>>) src(%dma_wait3A_224 : memref<1000448xf32, #tpu.memory_space<vmem_shared>>) dst(%dma_wait3A_220 : memref<2560xf32, #tpu.memory_space<vmem>>)
    %scan3A_225 = arith.constant 0 : i32
    %scan3A_226 = arith.constant 0 : i32
    %scan3A_227 = arith.constant 20 : i32
    %scan3A_228 = arith.addi %scan3A_226, %scan3A_227 : i32
    %scan3A_229 = arith.constant 1 : i32
    scf.for %scan3A_303 = %scan3A_226 to %scan3A_228 step %scan3A_229  : i32 {
      %mul3A_304 = arith.constant 8 : i32
      %mul3A_305 = arith.muli %scan3A_303, %mul3A_304 : i32
      %add3A_306 = arith.constant 160 : i32
      %add3A_307 = arith.addi %add3A_306, %mul3A_305 : i32
      %add3A_308 = arith.constant 0 : i32
      %add3A_309 = arith.addi %add3A_307, %add3A_308 : i32
      %lt3A_310 = arith.cmpi slt, %add3A_309, %select_n3A_199 : i32
      %select_n3A_311 = arith.select %lt3A_310, %select_n3A_138, %select_n3A_173 : vector<16xf32>
      %mul3A_312 = arith.constant 16 : i32
      %mul3A_313 = arith.muli %add3A_309, %mul3A_312 : i32
      %get3A_314 = arith.index_cast %mul3A_313 : i32 to index
      %get3A_315 = tpu.vector_load %arg7[%get3A_314] {strides = array<i32>} : memref<10240xf32, #tpu.memory_space<vmem>>, vector<16xf32>,
      %get3A_316 = vector.shape_cast %get3A_315 : vector<16xf32> to vector<16xf32>
      %neg3A_317 = arith.constant 0.000000e+00 : f32
      %neg3A_318 = vector.broadcast %neg3A_317 : f32 to vector<16xf32>
      %neg3A_319 = arith.subf %neg3A_318, %get3A_316 : vector<16xf32>
      %exp3A_320 = math.exp %neg3A_319 : vector<16xf32>
      %add3A_321 = arith.constant 1.000000e+00 : f32
      %add3A_322 = vector.broadcast %add3A_321 : f32 to vector<16xf32>
      %add3A_323 = arith.addf %add3A_322, %exp3A_320 : vector<16xf32>
      %div3A_324 = arith.divf %select_n3A_311, %add3A_323 : vector<16xf32>
      %swap3A = arith.index_cast %mul3A_313 : i32 to index
      %swap3A_325 = tpu.vector_load %arg7[%swap3A] {strides = array<i32>} : memref<10240xf32, #tpu.memory_space<vmem>>, vector<16xf32>,
      %swap3A_326 = vector.shape_cast %swap3A_325 : vector<16xf32> to vector<16xf32>
      %swap3A_327 = vector.shape_cast %div3A_324 : vector<16xf32> to vector<16xf32>
      tpu.vector_store %arg7[%swap3A], %swap3A_327 {strides = array<i32>} : memref<10240xf32, #tpu.memory_space<vmem>>, vector<16xf32>,
      %mul3A_328 = arith.constant 8 : i32
      %mul3A_329 = arith.muli %scan3A_303, %mul3A_328 : i32
      %add3A_330 = arith.constant 160 : i32
      %add3A_331 = arith.addi %add3A_330, %mul3A_329 : i32
      %add3A_332 = arith.constant 1 : i32
      %add3A_333 = arith.addi %add3A_331, %add3A_332 : i32
      %lt3A_334 = arith.cmpi slt, %add3A_333, %select_n3A_199 : i32
      %select_n3A_335 = arith.select %lt3A_334, %select_n3A_138, %select_n3A_173 : vector<16xf32>
      %mul3A_336 = arith.constant 16 : i32
      %mul3A_337 = arith.muli %add3A_333, %mul3A_336 : i32
      %get3A_338 = arith.index_cast %mul3A_337 : i32 to index
      %get3A_339 = tpu.vector_load %arg7[%get3A_338] {strides = array<i32>} : memref<10240xf32, #tpu.memory_space<vmem>>, vector<16xf32>,
      %get3A_340 = vector.shape_cast %get3A_339 : vector<16xf32> to vector<16xf32>
      %neg3A_341 = arith.constant 0.000000e+00 : f32
      %neg3A_342 = vector.broadcast %neg3A_341 : f32 to vector<16xf32>
      %neg3A_343 = arith.subf %neg3A_342, %get3A_340 : vector<16xf32>
      %exp3A_344 = math.exp %neg3A_343 : vector<16xf32>
      %add3A_345 = arith.constant 1.000000e+00 : f32
      %add3A_346 = vector.broadcast %add3A_345 : f32 to vector<16xf32>
      %add3A_347 = arith.addf %add3A_346, %exp3A_344 : vector<16xf32>
      %div3A_348 = arith.divf %select_n3A_335, %add3A_347 : vector<16xf32>
      %swap3A_349 = arith.index_cast %mul3A_337 : i32 to index
      %swap3A_350 = tpu.vector_load %arg7[%swap3A_349] {strides = array<i32>} : memref<10240xf32, #tpu.memory_space<vmem>>, vector<16xf32>,
      %swap3A_351 = vector.shape_cast %swap3A_350 : vector<16xf32> to vector<16xf32>
      %swap3A_352 = vector.shape_cast %div3A_348 : vector<16xf32> to vector<16xf32>
      tpu.vector_store %arg7[%swap3A_349], %swap3A_352 {strides = array<i32>} : memref<10240xf32, #tpu.memory_space<vmem>>, vector<16xf32>,
      %mul3A_353 = arith.constant 8 : i32
      %mul3A_354 = arith.muli %scan3A_303, %mul3A_353 : i32
      %add3A_355 = arith.constant 160 : i32
      %add3A_356 = arith.addi %add3A_355, %mul3A_354 : i32
      %add3A_357 = arith.constant 2 : i32
      %add3A_358 = arith.addi %add3A_356, %add3A_357 : i32
      %lt3A_359 = arith.cmpi slt, %add3A_358, %select_n3A_199 : i32
      %select_n3A_360 = arith.select %lt3A_359, %select_n3A_138, %select_n3A_173 : vector<16xf32>
      %mul3A_361 = arith.constant 16 : i32
      %mul3A_362 = arith.muli %add3A_358, %mul3A_361 : i32
      %get3A_363 = arith.index_cast %mul3A_362 : i32 to index
      %get3A_364 = tpu.vector_load %arg7[%get3A_363] {strides = array<i32>} : memref<10240xf32, #tpu.memory_space<vmem>>, vector<16xf32>,
      %get3A_365 = vector.shape_cast %get3A_364 : vector<16xf32> to vector<16xf32>
      %neg3A_366 = arith.constant 0.000000e+00 : f32
      %neg3A_367 = vector.broadcast %neg3A_366 : f32 to vector<16xf32>
      %neg3A_368 = arith.subf %neg3A_367, %get3A_365 : vector<16xf32>
      %exp3A_369 = math.exp %neg3A_368 : vector<16xf32>
      %add3A_370 = arith.constant 1.000000e+00 : f32
      %add3A_371 = vector.broadcast %add3A_370 : f32 to vector<16xf32>
      %add3A_372 = arith.addf %add3A_371, %exp3A_369 : vector<16xf32>
      %div3A_373 = arith.divf %select_n3A_360, %add3A_372 : vector<16xf32>
      %swap3A_374 = arith.index_cast %mul3A_362 : i32 to index
      %swap3A_375 = tpu.vector_load %arg7[%swap3A_374] {strides = array<i32>} : memref<10240xf32, #tpu.memory_space<vmem>>, vector<16xf32>,
      %swap3A_376 = vector.shape_cast %swap3A_375 : vector<16xf32> to vector<16xf32>
      %swap3A_377 = vector.shape_cast %div3A_373 : vector<16xf32> to vector<16xf32>
      tpu.vector_store %arg7[%swap3A_374], %swap3A_377 {strides = array<i32>} : memref<10240xf32, #tpu.memory_space<vmem>>, vector<16xf32>,
      %mul3A_378 = arith.constant 8 : i32
      %mul3A_379 = arith.muli %scan3A_303, %mul3A_378 : i32
      %add3A_380 = arith.constant 160 : i32
      %add3A_381 = arith.addi %add3A_380, %mul3A_379 : i32
      %add3A_382 = arith.constant 3 : i32
      %add3A_383 = arith.addi %add3A_381, %add3A_382 : i32
      %lt3A_384 = arith.cmpi slt, %add3A_383, %select_n3A_199 : i32
      %select_n3A_385 = arith.select %lt3A_384, %select_n3A_138, %select_n3A_173 : vector<16xf32>
      %mul3A_386 = arith.constant 16 : i32
      %mul3A_387 = arith.muli %add3A_383, %mul3A_386 : i32
      %get3A_388 = arith.index_cast %mul3A_387 : i32 to index
      %get3A_389 = tpu.vector_load %arg7[%get3A_388] {strides = array<i32>} : memref<10240xf32, #tpu.memory_space<vmem>>, vector<16xf32>,
      %get3A_390 = vector.shape_cast %get3A_389 : vector<16xf32> to vector<16xf32>
      %neg3A_391 = arith.constant 0.000000e+00 : f32
      %neg3A_392 = vector.broadcast %neg3A_391 : f32 to vector<16xf32>
      %neg3A_393 = arith.subf %neg3A_392, %get3A_390 : vector<16xf32>
      %exp3A_394 = math.exp %neg3A_393 : vector<16xf32>
      %add3A_395 = arith.constant 1.000000e+00 : f32
      %add3A_396 = vector.broadcast %add3A_395 : f32 to vector<16xf32>
      %add3A_397 = arith.addf %add3A_396, %exp3A_394 : vector<16xf32>
      %div3A_398 = arith.divf %select_n3A_385, %add3A_397 : vector<16xf32>
      %swap3A_399 = arith.index_cast %mul3A_387 : i32 to index
      %swap3A_400 = tpu.vector_load %arg7[%swap3A_399] {strides = array<i32>} : memref<10240xf32, #tpu.memory_space<vmem>>, vector<16xf32>,
      %swap3A_401 = vector.shape_cast %swap3A_400 : vector<16xf32> to vector<16xf32>
      %swap3A_402 = vector.shape_cast %div3A_398 : vector<16xf32> to vector<16xf32>
      tpu.vector_store %arg7[%swap3A_399], %swap3A_402 {strides = array<i32>} : memref<10240xf32, #tpu.memory_space<vmem>>, vector<16xf32>,
      %mul3A_403 = arith.constant 8 : i32
      %mul3A_404 = arith.muli %scan3A_303, %mul3A_403 : i32
      %add3A_405 = arith.constant 160 : i32
      %add3A_406 = arith.addi %add3A_405, %mul3A_404 : i32
      %add3A_407 = arith.constant 4 : i32
      %add3A_408 = arith.addi %add3A_406, %add3A_407 : i32
      %lt3A_409 = arith.cmpi slt, %add3A_408, %select_n3A_199 : i32
      %select_n3A_410 = arith.select %lt3A_409, %select_n3A_138, %select_n3A_173 : vector<16xf32>
      %mul3A_411 = arith.constant 16 : i32
      %mul3A_412 = arith.muli %add3A_408, %mul3A_411 : i32
      %get3A_413 = arith.index_cast %mul3A_412 : i32 to index
      %get3A_414 = tpu.vector_load %arg7[%get3A_413] {strides = array<i32>} : memref<10240xf32, #tpu.memory_space<vmem>>, vector<16xf32>,
      %get3A_415 = vector.shape_cast %get3A_414 : vector<16xf32> to vector<16xf32>
      %neg3A_416 = arith.constant 0.000000e+00 : f32
      %neg3A_417 = vector.broadcast %neg3A_416 : f32 to vector<16xf32>
      %neg3A_418 = arith.subf %neg3A_417, %get3A_415 : vector<16xf32>
      %exp3A_419 = math.exp %neg3A_418 : vector<16xf32>
      %add3A_420 = arith.constant 1.000000e+00 : f32
      %add3A_421 = vector.broadcast %add3A_420 : f32 to vector<16xf32>
      %add3A_422 = arith.addf %add3A_421, %exp3A_419 : vector<16xf32>
      %div3A_423 = arith.divf %select_n3A_410, %add3A_422 : vector<16xf32>
      %swap3A_424 = arith.index_cast %mul3A_412 : i32 to index
      %swap3A_425 = tpu.vector_load %arg7[%swap3A_424] {strides = array<i32>} : memref<10240xf32, #tpu.memory_space<vmem>>, vector<16xf32>,
      %swap3A_426 = vector.shape_cast %swap3A_425 : vector<16xf32> to vector<16xf32>
      %swap3A_427 = vector.shape_cast %div3A_423 : vector<16xf32> to vector<16xf32>
      tpu.vector_store %arg7[%swap3A_424], %swap3A_427 {strides = array<i32>} : memref<10240xf32, #tpu.memory_space<vmem>>, vector<16xf32>,
      %mul3A_428 = arith.constant 8 : i32
      %mul3A_429 = arith.muli %scan3A_303, %mul3A_428 : i32
      %add3A_430 = arith.constant 160 : i32
      %add3A_431 = arith.addi %add3A_430, %mul3A_429 : i32
      %add3A_432 = arith.constant 5 : i32
      %add3A_433 = arith.addi %add3A_431, %add3A_432 : i32
      %lt3A_434 = arith.cmpi slt, %add3A_433, %select_n3A_199 : i32
      %select_n3A_435 = arith.select %lt3A_434, %select_n3A_138, %select_n3A_173 : vector<16xf32>
      %mul3A_436 = arith.constant 16 : i32
      %mul3A_437 = arith.muli %add3A_433, %mul3A_436 : i32
      %get3A_438 = arith.index_cast %mul3A_437 : i32 to index
      %get3A_439 = tpu.vector_load %arg7[%get3A_438] {strides = array<i32>} : memref<10240xf32, #tpu.memory_space<vmem>>, vector<16xf32>,
      %get3A_440 = vector.shape_cast %get3A_439 : vector<16xf32> to vector<16xf32>
      %neg3A_441 = arith.constant 0.000000e+00 : f32
      %neg3A_442 = vector.broadcast %neg3A_441 : f32 to vector<16xf32>
      %neg3A_443 = arith.subf %neg3A_442, %get3A_440 : vector<16xf32>
      %exp3A_444 = math.exp %neg3A_443 : vector<16xf32>
      %add3A_445 = arith.constant 1.000000e+00 : f32
      %add3A_446 = vector.broadcast %add3A_445 : f32 to vector<16xf32>
      %add3A_447 = arith.addf %add3A_446, %exp3A_444 : vector<16xf32>
      %div3A_448 = arith.divf %select_n3A_435, %add3A_447 : vector<16xf32>
      %swap3A_449 = arith.index_cast %mul3A_437 : i32 to index
      %swap3A_450 = tpu.vector_load %arg7[%swap3A_449] {strides = array<i32>} : memref<10240xf32, #tpu.memory_space<vmem>>, vector<16xf32>,
      %swap3A_451 = vector.shape_cast %swap3A_450 : vector<16xf32> to vector<16xf32>
      %swap3A_452 = vector.shape_cast %div3A_448 : vector<16xf32> to vector<16xf32>
      tpu.vector_store %arg7[%swap3A_449], %swap3A_452 {strides = array<i32>} : memref<10240xf32, #tpu.memory_space<vmem>>, vector<16xf32>,
      %mul3A_453 = arith.constant 8 : i32
      %mul3A_454 = arith.muli %scan3A_303, %mul3A_453 : i32
      %add3A_455 = arith.constant 160 : i32
      %add3A_456 = arith.addi %add3A_455, %mul3A_454 : i32
      %add3A_457 = arith.constant 6 : i32
      %add3A_458 = arith.addi %add3A_456, %add3A_457 : i32
      %lt3A_459 = arith.cmpi slt, %add3A_458, %select_n3A_199 : i32
      %select_n3A_460 = arith.select %lt3A_459, %select_n3A_138, %select_n3A_173 : vector<16xf32>
      %mul3A_461 = arith.constant 16 : i32
      %mul3A_462 = arith.muli %add3A_458, %mul3A_461 : i32
      %get3A_463 = arith.index_cast %mul3A_462 : i32 to index
      %get3A_464 = tpu.vector_load %arg7[%get3A_463] {strides = array<i32>} : memref<10240xf32, #tpu.memory_space<vmem>>, vector<16xf32>,
      %get3A_465 = vector.shape_cast %get3A_464 : vector<16xf32> to vector<16xf32>
      %neg3A_466 = arith.constant 0.000000e+00 : f32
      %neg3A_467 = vector.broadcast %neg3A_466 : f32 to vector<16xf32>
      %neg3A_468 = arith.subf %neg3A_467, %get3A_465 : vector<16xf32>
      %exp3A_469 = math.exp %neg3A_468 : vector<16xf32>
      %add3A_470 = arith.constant 1.000000e+00 : f32
      %add3A_471 = vector.broadcast %add3A_470 : f32 to vector<16xf32>
      %add3A_472 = arith.addf %add3A_471, %exp3A_469 : vector<16xf32>
      %div3A_473 = arith.divf %select_n3A_460, %add3A_472 : vector<16xf32>
      %swap3A_474 = arith.index_cast %mul3A_462 : i32 to index
      %swap3A_475 = tpu.vector_load %arg7[%swap3A_474] {strides = array<i32>} : memref<10240xf32, #tpu.memory_space<vmem>>, vector<16xf32>,
      %swap3A_476 = vector.shape_cast %swap3A_475 : vector<16xf32> to vector<16xf32>
      %swap3A_477 = vector.shape_cast %div3A_473 : vector<16xf32> to vector<16xf32>
      tpu.vector_store %arg7[%swap3A_474], %swap3A_477 {strides = array<i32>} : memref<10240xf32, #tpu.memory_space<vmem>>, vector<16xf32>,
      %mul3A_478 = arith.constant 8 : i32
      %mul3A_479 = arith.muli %scan3A_303, %mul3A_478 : i32
      %add3A_480 = arith.constant 160 : i32
      %add3A_481 = arith.addi %add3A_480, %mul3A_479 : i32
      %add3A_482 = arith.constant 7 : i32
      %add3A_483 = arith.addi %add3A_481, %add3A_482 : i32
      %lt3A_484 = arith.cmpi slt, %add3A_483, %select_n3A_199 : i32
      %select_n3A_485 = arith.select %lt3A_484, %select_n3A_138, %select_n3A_173 : vector<16xf32>
      %mul3A_486 = arith.constant 16 : i32
      %mul3A_487 = arith.muli %add3A_483, %mul3A_486 : i32
      %get3A_488 = arith.index_cast %mul3A_487 : i32 to index
      %get3A_489 = tpu.vector_load %arg7[%get3A_488] {strides = array<i32>} : memref<10240xf32, #tpu.memory_space<vmem>>, vector<16xf32>,
      %get3A_490 = vector.shape_cast %get3A_489 : vector<16xf32> to vector<16xf32>
      %neg3A_491 = arith.constant 0.000000e+00 : f32
      %neg3A_492 = vector.broadcast %neg3A_491 : f32 to vector<16xf32>
      %neg3A_493 = arith.subf %neg3A_492, %get3A_490 : vector<16xf32>
      %exp3A_494 = math.exp %neg3A_493 : vector<16xf32>
      %add3A_495 = arith.constant 1.000000e+00 : f32
      %add3A_496 = vector.broadcast %add3A_495 : f32 to vector<16xf32>
      %add3A_497 = arith.addf %add3A_496, %exp3A_494 : vector<16xf32>
      %div3A_498 = arith.divf %select_n3A_485, %add3A_497 : vector<16xf32>
      %swap3A_499 = arith.index_cast %mul3A_487 : i32 to index
      %swap3A_500 = tpu.vector_load %arg7[%swap3A_499] {strides = array<i32>} : memref<10240xf32, #tpu.memory_space<vmem>>, vector<16xf32>,
      %swap3A_501 = vector.shape_cast %swap3A_500 : vector<16xf32> to vector<16xf32>
      %swap3A_502 = vector.shape_cast %div3A_498 : vector<16xf32> to vector<16xf32>
      tpu.vector_store %arg7[%swap3A_499], %swap3A_502 {strides = array<i32>} : memref<10240xf32, #tpu.memory_space<vmem>>, vector<16xf32>,
    }
    %scan3A_230 = arith.constant 20 : i32
    %add3A_231 = arith.constant 2560 : i32
    %add3A_232 = arith.addi %mul3A_2, %add3A_231 : i32
    %dma_start3A_233 = arith.constant 2560 : i32
    %dma_start3A_234 = tpu.memref_slice %arg7[%dma_start3A_233] : memref<10240xf32, #tpu.memory_space<vmem>> -> memref<2560xf32, #tpu.memory_space<vmem>>
    %dma_start3A_235 = tpu.memref_slice %arg5[%add3A_232] : memref<327680xf32, #tpu.memory_space<hbm>> -> memref<2560xf32, #tpu.memory_space<hbm>>
    %dma_start3A_236 = tpu.memref_slice %arg5[%add3A_232] : memref<327680xf32, #tpu.memory_space<hbm>> -> memref<2560xf32, #tpu.memory_space<hbm>>
    %dma_start3A_237 = arith.constant 2560 : i32
    %dma_start3A_238 = tpu.memref_slice %arg7[%dma_start3A_237] : memref<10240xf32, #tpu.memory_space<vmem>> -> memref<2560xf32, #tpu.memory_space<vmem>>
    tpu.enqueue_dma source(%dma_start3A_238 : memref<2560xf32, #tpu.memory_space<vmem>>) target(%dma_start3A_236 : memref<2560xf32, #tpu.memory_space<hbm>>) target_semaphore(%arg14 : memref<!tpu.dma_semaphore, #tpu.memory_space<semaphore_mem>>)
    %dma_wait3A_239 = arith.constant 5120 : i32
    %dma_wait3A_240 = tpu.memref_slice %arg7[%dma_wait3A_239] : memref<10240xf32, #tpu.memory_space<vmem>> -> memref<2560xf32, #tpu.memory_space<vmem>>
    %dma_wait3A_241 = arith.constant 5120 : i32
    %dma_wait3A_242 = tpu.memref_slice %arg6[%dma_wait3A_241] : memref<10240xi32, #tpu.memory_space<vmem>> -> memref<2560xi32, #tpu.memory_space<vmem>>
    %dma_wait3A_243 = arith.constant 0 : i32
    %dma_wait3A_244 = tpu.memref_slice %arg11[%dma_wait3A_243] : memref<1000448xf32, #tpu.memory_space<vmem_shared>> -> memref<1000448xf32, #tpu.memory_space<vmem_shared>>
    tpu.wait_indirect_dma semaphore(%arg13 : memref<!tpu.dma_semaphore, #tpu.memory_space<semaphore_mem>>) src(%dma_wait3A_244 : memref<1000448xf32, #tpu.memory_space<vmem_shared>>) dst(%dma_wait3A_240 : memref<2560xf32, #tpu.memory_space<vmem>>)
    %scan3A_245 = arith.constant 0 : i32
    %scan3A_246 = arith.constant 0 : i32
    %scan3A_247 = arith.constant 20 : i32
    %scan3A_248 = arith.addi %scan3A_246, %scan3A_247 : i32
    %scan3A_249 = arith.constant 1 : i32
    scf.for %scan3A_303 = %scan3A_246 to %scan3A_248 step %scan3A_249  : i32 {
      %mul3A_304 = arith.constant 8 : i32
      %mul3A_305 = arith.muli %scan3A_303, %mul3A_304 : i32
      %add3A_306 = arith.constant 320 : i32
      %add3A_307 = arith.addi %add3A_306, %mul3A_305 : i32
      %add3A_308 = arith.constant 0 : i32
      %add3A_309 = arith.addi %add3A_307, %add3A_308 : i32
      %lt3A_310 = arith.cmpi slt, %add3A_309, %select_n3A_199 : i32
      %select_n3A_311 = arith.select %lt3A_310, %select_n3A_138, %select_n3A_173 : vector<16xf32>
      %mul3A_312 = arith.constant 16 : i32
      %mul3A_313 = arith.muli %add3A_309, %mul3A_312 : i32
      %get3A_314 = arith.index_cast %mul3A_313 : i32 to index
      %get3A_315 = tpu.vector_load %arg7[%get3A_314] {strides = array<i32>} : memref<10240xf32, #tpu.memory_space<vmem>>, vector<16xf32>,
      %get3A_316 = vector.shape_cast %get3A_315 : vector<16xf32> to vector<16xf32>
      %neg3A_317 = arith.constant 0.000000e+00 : f32
      %neg3A_318 = vector.broadcast %neg3A_317 : f32 to vector<16xf32>
      %neg3A_319 = arith.subf %neg3A_318, %get3A_316 : vector<16xf32>
      %exp3A_320 = math.exp %neg3A_319 : vector<16xf32>
      %add3A_321 = arith.constant 1.000000e+00 : f32
      %add3A_322 = vector.broadcast %add3A_321 : f32 to vector<16xf32>
      %add3A_323 = arith.addf %add3A_322, %exp3A_320 : vector<16xf32>
      %div3A_324 = arith.divf %select_n3A_311, %add3A_323 : vector<16xf32>
      %swap3A = arith.index_cast %mul3A_313 : i32 to index
      %swap3A_325 = tpu.vector_load %arg7[%swap3A] {strides = array<i32>} : memref<10240xf32, #tpu.memory_space<vmem>>, vector<16xf32>,
      %swap3A_326 = vector.shape_cast %swap3A_325 : vector<16xf32> to vector<16xf32>
      %swap3A_327 = vector.shape_cast %div3A_324 : vector<16xf32> to vector<16xf32>
      tpu.vector_store %arg7[%swap3A], %swap3A_327 {strides = array<i32>} : memref<10240xf32, #tpu.memory_space<vmem>>, vector<16xf32>,
      %mul3A_328 = arith.constant 8 : i32
      %mul3A_329 = arith.muli %scan3A_303, %mul3A_328 : i32
      %add3A_330 = arith.constant 320 : i32
      %add3A_331 = arith.addi %add3A_330, %mul3A_329 : i32
      %add3A_332 = arith.constant 1 : i32
      %add3A_333 = arith.addi %add3A_331, %add3A_332 : i32
      %lt3A_334 = arith.cmpi slt, %add3A_333, %select_n3A_199 : i32
      %select_n3A_335 = arith.select %lt3A_334, %select_n3A_138, %select_n3A_173 : vector<16xf32>
      %mul3A_336 = arith.constant 16 : i32
      %mul3A_337 = arith.muli %add3A_333, %mul3A_336 : i32
      %get3A_338 = arith.index_cast %mul3A_337 : i32 to index
      %get3A_339 = tpu.vector_load %arg7[%get3A_338] {strides = array<i32>} : memref<10240xf32, #tpu.memory_space<vmem>>, vector<16xf32>,
      %get3A_340 = vector.shape_cast %get3A_339 : vector<16xf32> to vector<16xf32>
      %neg3A_341 = arith.constant 0.000000e+00 : f32
      %neg3A_342 = vector.broadcast %neg3A_341 : f32 to vector<16xf32>
      %neg3A_343 = arith.subf %neg3A_342, %get3A_340 : vector<16xf32>
      %exp3A_344 = math.exp %neg3A_343 : vector<16xf32>
      %add3A_345 = arith.constant 1.000000e+00 : f32
      %add3A_346 = vector.broadcast %add3A_345 : f32 to vector<16xf32>
      %add3A_347 = arith.addf %add3A_346, %exp3A_344 : vector<16xf32>
      %div3A_348 = arith.divf %select_n3A_335, %add3A_347 : vector<16xf32>
      %swap3A_349 = arith.index_cast %mul3A_337 : i32 to index
      %swap3A_350 = tpu.vector_load %arg7[%swap3A_349] {strides = array<i32>} : memref<10240xf32, #tpu.memory_space<vmem>>, vector<16xf32>,
      %swap3A_351 = vector.shape_cast %swap3A_350 : vector<16xf32> to vector<16xf32>
      %swap3A_352 = vector.shape_cast %div3A_348 : vector<16xf32> to vector<16xf32>
      tpu.vector_store %arg7[%swap3A_349], %swap3A_352 {strides = array<i32>} : memref<10240xf32, #tpu.memory_space<vmem>>, vector<16xf32>,
      %mul3A_353 = arith.constant 8 : i32
      %mul3A_354 = arith.muli %scan3A_303, %mul3A_353 : i32
      %add3A_355 = arith.constant 320 : i32
      %add3A_356 = arith.addi %add3A_355, %mul3A_354 : i32
      %add3A_357 = arith.constant 2 : i32
      %add3A_358 = arith.addi %add3A_356, %add3A_357 : i32
      %lt3A_359 = arith.cmpi slt, %add3A_358, %select_n3A_199 : i32
      %select_n3A_360 = arith.select %lt3A_359, %select_n3A_138, %select_n3A_173 : vector<16xf32>
      %mul3A_361 = arith.constant 16 : i32
      %mul3A_362 = arith.muli %add3A_358, %mul3A_361 : i32
      %get3A_363 = arith.index_cast %mul3A_362 : i32 to index
      %get3A_364 = tpu.vector_load %arg7[%get3A_363] {strides = array<i32>} : memref<10240xf32, #tpu.memory_space<vmem>>, vector<16xf32>,
      %get3A_365 = vector.shape_cast %get3A_364 : vector<16xf32> to vector<16xf32>
      %neg3A_366 = arith.constant 0.000000e+00 : f32
      %neg3A_367 = vector.broadcast %neg3A_366 : f32 to vector<16xf32>
      %neg3A_368 = arith.subf %neg3A_367, %get3A_365 : vector<16xf32>
      %exp3A_369 = math.exp %neg3A_368 : vector<16xf32>
      %add3A_370 = arith.constant 1.000000e+00 : f32
      %add3A_371 = vector.broadcast %add3A_370 : f32 to vector<16xf32>
      %add3A_372 = arith.addf %add3A_371, %exp3A_369 : vector<16xf32>
      %div3A_373 = arith.divf %select_n3A_360, %add3A_372 : vector<16xf32>
      %swap3A_374 = arith.index_cast %mul3A_362 : i32 to index
      %swap3A_375 = tpu.vector_load %arg7[%swap3A_374] {strides = array<i32>} : memref<10240xf32, #tpu.memory_space<vmem>>, vector<16xf32>,
      %swap3A_376 = vector.shape_cast %swap3A_375 : vector<16xf32> to vector<16xf32>
      %swap3A_377 = vector.shape_cast %div3A_373 : vector<16xf32> to vector<16xf32>
      tpu.vector_store %arg7[%swap3A_374], %swap3A_377 {strides = array<i32>} : memref<10240xf32, #tpu.memory_space<vmem>>, vector<16xf32>,
      %mul3A_378 = arith.constant 8 : i32
      %mul3A_379 = arith.muli %scan3A_303, %mul3A_378 : i32
      %add3A_380 = arith.constant 320 : i32
      %add3A_381 = arith.addi %add3A_380, %mul3A_379 : i32
      %add3A_382 = arith.constant 3 : i32
      %add3A_383 = arith.addi %add3A_381, %add3A_382 : i32
      %lt3A_384 = arith.cmpi slt, %add3A_383, %select_n3A_199 : i32
      %select_n3A_385 = arith.select %lt3A_384, %select_n3A_138, %select_n3A_173 : vector<16xf32>
      %mul3A_386 = arith.constant 16 : i32
      %mul3A_387 = arith.muli %add3A_383, %mul3A_386 : i32
      %get3A_388 = arith.index_cast %mul3A_387 : i32 to index
      %get3A_389 = tpu.vector_load %arg7[%get3A_388] {strides = array<i32>} : memref<10240xf32, #tpu.memory_space<vmem>>, vector<16xf32>,
      %get3A_390 = vector.shape_cast %get3A_389 : vector<16xf32> to vector<16xf32>
      %neg3A_391 = arith.constant 0.000000e+00 : f32
      %neg3A_392 = vector.broadcast %neg3A_391 : f32 to vector<16xf32>
      %neg3A_393 = arith.subf %neg3A_392, %get3A_390 : vector<16xf32>
      %exp3A_394 = math.exp %neg3A_393 : vector<16xf32>
      %add3A_395 = arith.constant 1.000000e+00 : f32
      %add3A_396 = vector.broadcast %add3A_395 : f32 to vector<16xf32>
      %add3A_397 = arith.addf %add3A_396, %exp3A_394 : vector<16xf32>
      %div3A_398 = arith.divf %select_n3A_385, %add3A_397 : vector<16xf32>
      %swap3A_399 = arith.index_cast %mul3A_387 : i32 to index
      %swap3A_400 = tpu.vector_load %arg7[%swap3A_399] {strides = array<i32>} : memref<10240xf32, #tpu.memory_space<vmem>>, vector<16xf32>,
      %swap3A_401 = vector.shape_cast %swap3A_400 : vector<16xf32> to vector<16xf32>
      %swap3A_402 = vector.shape_cast %div3A_398 : vector<16xf32> to vector<16xf32>
      tpu.vector_store %arg7[%swap3A_399], %swap3A_402 {strides = array<i32>} : memref<10240xf32, #tpu.memory_space<vmem>>, vector<16xf32>,
      %mul3A_403 = arith.constant 8 : i32
      %mul3A_404 = arith.muli %scan3A_303, %mul3A_403 : i32
      %add3A_405 = arith.constant 320 : i32
      %add3A_406 = arith.addi %add3A_405, %mul3A_404 : i32
      %add3A_407 = arith.constant 4 : i32
      %add3A_408 = arith.addi %add3A_406, %add3A_407 : i32
      %lt3A_409 = arith.cmpi slt, %add3A_408, %select_n3A_199 : i32
      %select_n3A_410 = arith.select %lt3A_409, %select_n3A_138, %select_n3A_173 : vector<16xf32>
      %mul3A_411 = arith.constant 16 : i32
      %mul3A_412 = arith.muli %add3A_408, %mul3A_411 : i32
      %get3A_413 = arith.index_cast %mul3A_412 : i32 to index
      %get3A_414 = tpu.vector_load %arg7[%get3A_413] {strides = array<i32>} : memref<10240xf32, #tpu.memory_space<vmem>>, vector<16xf32>,
      %get3A_415 = vector.shape_cast %get3A_414 : vector<16xf32> to vector<16xf32>
      %neg3A_416 = arith.constant 0.000000e+00 : f32
      %neg3A_417 = vector.broadcast %neg3A_416 : f32 to vector<16xf32>
      %neg3A_418 = arith.subf %neg3A_417, %get3A_415 : vector<16xf32>
      %exp3A_419 = math.exp %neg3A_418 : vector<16xf32>
      %add3A_420 = arith.constant 1.000000e+00 : f32
      %add3A_421 = vector.broadcast %add3A_420 : f32 to vector<16xf32>
      %add3A_422 = arith.addf %add3A_421, %exp3A_419 : vector<16xf32>
      %div3A_423 = arith.divf %select_n3A_410, %add3A_422 : vector<16xf32>
      %swap3A_424 = arith.index_cast %mul3A_412 : i32 to index
      %swap3A_425 = tpu.vector_load %arg7[%swap3A_424] {strides = array<i32>} : memref<10240xf32, #tpu.memory_space<vmem>>, vector<16xf32>,
      %swap3A_426 = vector.shape_cast %swap3A_425 : vector<16xf32> to vector<16xf32>
      %swap3A_427 = vector.shape_cast %div3A_423 : vector<16xf32> to vector<16xf32>
      tpu.vector_store %arg7[%swap3A_424], %swap3A_427 {strides = array<i32>} : memref<10240xf32, #tpu.memory_space<vmem>>, vector<16xf32>,
      %mul3A_428 = arith.constant 8 : i32
      %mul3A_429 = arith.muli %scan3A_303, %mul3A_428 : i32
      %add3A_430 = arith.constant 320 : i32
      %add3A_431 = arith.addi %add3A_430, %mul3A_429 : i32
      %add3A_432 = arith.constant 5 : i32
      %add3A_433 = arith.addi %add3A_431, %add3A_432 : i32
      %lt3A_434 = arith.cmpi slt, %add3A_433, %select_n3A_199 : i32
      %select_n3A_435 = arith.select %lt3A_434, %select_n3A_138, %select_n3A_173 : vector<16xf32>
      %mul3A_436 = arith.constant 16 : i32
      %mul3A_437 = arith.muli %add3A_433, %mul3A_436 : i32
      %get3A_438 = arith.index_cast %mul3A_437 : i32 to index
      %get3A_439 = tpu.vector_load %arg7[%get3A_438] {strides = array<i32>} : memref<10240xf32, #tpu.memory_space<vmem>>, vector<16xf32>,
      %get3A_440 = vector.shape_cast %get3A_439 : vector<16xf32> to vector<16xf32>
      %neg3A_441 = arith.constant 0.000000e+00 : f32
      %neg3A_442 = vector.broadcast %neg3A_441 : f32 to vector<16xf32>
      %neg3A_443 = arith.subf %neg3A_442, %get3A_440 : vector<16xf32>
      %exp3A_444 = math.exp %neg3A_443 : vector<16xf32>
      %add3A_445 = arith.constant 1.000000e+00 : f32
      %add3A_446 = vector.broadcast %add3A_445 : f32 to vector<16xf32>
      %add3A_447 = arith.addf %add3A_446, %exp3A_444 : vector<16xf32>
      %div3A_448 = arith.divf %select_n3A_435, %add3A_447 : vector<16xf32>
      %swap3A_449 = arith.index_cast %mul3A_437 : i32 to index
      %swap3A_450 = tpu.vector_load %arg7[%swap3A_449] {strides = array<i32>} : memref<10240xf32, #tpu.memory_space<vmem>>, vector<16xf32>,
      %swap3A_451 = vector.shape_cast %swap3A_450 : vector<16xf32> to vector<16xf32>
      %swap3A_452 = vector.shape_cast %div3A_448 : vector<16xf32> to vector<16xf32>
      tpu.vector_store %arg7[%swap3A_449], %swap3A_452 {strides = array<i32>} : memref<10240xf32, #tpu.memory_space<vmem>>, vector<16xf32>,
      %mul3A_453 = arith.constant 8 : i32
      %mul3A_454 = arith.muli %scan3A_303, %mul3A_453 : i32
      %add3A_455 = arith.constant 320 : i32
      %add3A_456 = arith.addi %add3A_455, %mul3A_454 : i32
      %add3A_457 = arith.constant 6 : i32
      %add3A_458 = arith.addi %add3A_456, %add3A_457 : i32
      %lt3A_459 = arith.cmpi slt, %add3A_458, %select_n3A_199 : i32
      %select_n3A_460 = arith.select %lt3A_459, %select_n3A_138, %select_n3A_173 : vector<16xf32>
      %mul3A_461 = arith.constant 16 : i32
      %mul3A_462 = arith.muli %add3A_458, %mul3A_461 : i32
      %get3A_463 = arith.index_cast %mul3A_462 : i32 to index
      %get3A_464 = tpu.vector_load %arg7[%get3A_463] {strides = array<i32>} : memref<10240xf32, #tpu.memory_space<vmem>>, vector<16xf32>,
      %get3A_465 = vector.shape_cast %get3A_464 : vector<16xf32> to vector<16xf32>
      %neg3A_466 = arith.constant 0.000000e+00 : f32
      %neg3A_467 = vector.broadcast %neg3A_466 : f32 to vector<16xf32>
      %neg3A_468 = arith.subf %neg3A_467, %get3A_465 : vector<16xf32>
      %exp3A_469 = math.exp %neg3A_468 : vector<16xf32>
      %add3A_470 = arith.constant 1.000000e+00 : f32
      %add3A_471 = vector.broadcast %add3A_470 : f32 to vector<16xf32>
      %add3A_472 = arith.addf %add3A_471, %exp3A_469 : vector<16xf32>
      %div3A_473 = arith.divf %select_n3A_460, %add3A_472 : vector<16xf32>
      %swap3A_474 = arith.index_cast %mul3A_462 : i32 to index
      %swap3A_475 = tpu.vector_load %arg7[%swap3A_474] {strides = array<i32>} : memref<10240xf32, #tpu.memory_space<vmem>>, vector<16xf32>,
      %swap3A_476 = vector.shape_cast %swap3A_475 : vector<16xf32> to vector<16xf32>
      %swap3A_477 = vector.shape_cast %div3A_473 : vector<16xf32> to vector<16xf32>
      tpu.vector_store %arg7[%swap3A_474], %swap3A_477 {strides = array<i32>} : memref<10240xf32, #tpu.memory_space<vmem>>, vector<16xf32>,
      %mul3A_478 = arith.constant 8 : i32
      %mul3A_479 = arith.muli %scan3A_303, %mul3A_478 : i32
      %add3A_480 = arith.constant 320 : i32
      %add3A_481 = arith.addi %add3A_480, %mul3A_479 : i32
      %add3A_482 = arith.constant 7 : i32
      %add3A_483 = arith.addi %add3A_481, %add3A_482 : i32
      %lt3A_484 = arith.cmpi slt, %add3A_483, %select_n3A_199 : i32
      %select_n3A_485 = arith.select %lt3A_484, %select_n3A_138, %select_n3A_173 : vector<16xf32>
      %mul3A_486 = arith.constant 16 : i32
      %mul3A_487 = arith.muli %add3A_483, %mul3A_486 : i32
      %get3A_488 = arith.index_cast %mul3A_487 : i32 to index
      %get3A_489 = tpu.vector_load %arg7[%get3A_488] {strides = array<i32>} : memref<10240xf32, #tpu.memory_space<vmem>>, vector<16xf32>,
      %get3A_490 = vector.shape_cast %get3A_489 : vector<16xf32> to vector<16xf32>
      %neg3A_491 = arith.constant 0.000000e+00 : f32
      %neg3A_492 = vector.broadcast %neg3A_491 : f32 to vector<16xf32>
      %neg3A_493 = arith.subf %neg3A_492, %get3A_490 : vector<16xf32>
      %exp3A_494 = math.exp %neg3A_493 : vector<16xf32>
      %add3A_495 = arith.constant 1.000000e+00 : f32
      %add3A_496 = vector.broadcast %add3A_495 : f32 to vector<16xf32>
      %add3A_497 = arith.addf %add3A_496, %exp3A_494 : vector<16xf32>
      %div3A_498 = arith.divf %select_n3A_485, %add3A_497 : vector<16xf32>
      %swap3A_499 = arith.index_cast %mul3A_487 : i32 to index
      %swap3A_500 = tpu.vector_load %arg7[%swap3A_499] {strides = array<i32>} : memref<10240xf32, #tpu.memory_space<vmem>>, vector<16xf32>,
      %swap3A_501 = vector.shape_cast %swap3A_500 : vector<16xf32> to vector<16xf32>
      %swap3A_502 = vector.shape_cast %div3A_498 : vector<16xf32> to vector<16xf32>
      tpu.vector_store %arg7[%swap3A_499], %swap3A_502 {strides = array<i32>} : memref<10240xf32, #tpu.memory_space<vmem>>, vector<16xf32>,
    }
    %scan3A_250 = arith.constant 20 : i32
    %add3A_251 = arith.constant 5120 : i32
    %add3A_252 = arith.addi %mul3A_2, %add3A_251 : i32
    %dma_start3A_253 = arith.constant 5120 : i32
    %dma_start3A_254 = tpu.memref_slice %arg7[%dma_start3A_253] : memref<10240xf32, #tpu.memory_space<vmem>> -> memref<2560xf32, #tpu.memory_space<vmem>>
    %dma_start3A_255 = tpu.memref_slice %arg5[%add3A_252] : memref<327680xf32, #tpu.memory_space<hbm>> -> memref<2560xf32, #tpu.memory_space<hbm>>
    %dma_start3A_256 = tpu.memref_slice %arg5[%add3A_252] : memref<327680xf32, #tpu.memory_space<hbm>> -> memref<2560xf32, #tpu.memory_space<hbm>>
    %dma_start3A_257 = arith.constant 5120 : i32
    %dma_start3A_258 = tpu.memref_slice %arg7[%dma_start3A_257] : memref<10240xf32, #tpu.memory_space<vmem>> -> memref<2560xf32, #tpu.memory_space<vmem>>
    tpu.enqueue_dma source(%dma_start3A_258 : memref<2560xf32, #tpu.memory_space<vmem>>) target(%dma_start3A_256 : memref<2560xf32, #tpu.memory_space<hbm>>) target_semaphore(%arg14 : memref<!tpu.dma_semaphore, #tpu.memory_space<semaphore_mem>>)
    %dma_wait3A_259 = arith.constant 7680 : i32
    %dma_wait3A_260 = tpu.memref_slice %arg7[%dma_wait3A_259] : memref<10240xf32, #tpu.memory_space<vmem>> -> memref<2560xf32, #tpu.memory_space<vmem>>
    %dma_wait3A_261 = arith.constant 7680 : i32
    %dma_wait3A_262 = tpu.memref_slice %arg6[%dma_wait3A_261] : memref<10240xi32, #tpu.memory_space<vmem>> -> memref<2560xi32, #tpu.memory_space<vmem>>
    %dma_wait3A_263 = arith.constant 0 : i32
    %dma_wait3A_264 = tpu.memref_slice %arg11[%dma_wait3A_263] : memref<1000448xf32, #tpu.memory_space<vmem_shared>> -> memref<1000448xf32, #tpu.memory_space<vmem_shared>>
    tpu.wait_indirect_dma semaphore(%arg13 : memref<!tpu.dma_semaphore, #tpu.memory_space<semaphore_mem>>) src(%dma_wait3A_264 : memref<1000448xf32, #tpu.memory_space<vmem_shared>>) dst(%dma_wait3A_260 : memref<2560xf32, #tpu.memory_space<vmem>>)
    %scan3A_265 = arith.constant 0 : i32
    %scan3A_266 = arith.constant 0 : i32
    %scan3A_267 = arith.constant 20 : i32
    %scan3A_268 = arith.addi %scan3A_266, %scan3A_267 : i32
    %scan3A_269 = arith.constant 1 : i32
    scf.for %scan3A_303 = %scan3A_266 to %scan3A_268 step %scan3A_269  : i32 {
      %mul3A_304 = arith.constant 8 : i32
      %mul3A_305 = arith.muli %scan3A_303, %mul3A_304 : i32
      %add3A_306 = arith.constant 480 : i32
      %add3A_307 = arith.addi %add3A_306, %mul3A_305 : i32
      %add3A_308 = arith.constant 0 : i32
      %add3A_309 = arith.addi %add3A_307, %add3A_308 : i32
      %lt3A_310 = arith.cmpi slt, %add3A_309, %select_n3A_199 : i32
      %select_n3A_311 = arith.select %lt3A_310, %select_n3A_138, %select_n3A_173 : vector<16xf32>
      %mul3A_312 = arith.constant 16 : i32
      %mul3A_313 = arith.muli %add3A_309, %mul3A_312 : i32
      %get3A_314 = arith.index_cast %mul3A_313 : i32 to index
      %get3A_315 = tpu.vector_load %arg7[%get3A_314] {strides = array<i32>} : memref<10240xf32, #tpu.memory_space<vmem>>, vector<16xf32>,
      %get3A_316 = vector.shape_cast %get3A_315 : vector<16xf32> to vector<16xf32>
      %neg3A_317 = arith.constant 0.000000e+00 : f32
      %neg3A_318 = vector.broadcast %neg3A_317 : f32 to vector<16xf32>
      %neg3A_319 = arith.subf %neg3A_318, %get3A_316 : vector<16xf32>
      %exp3A_320 = math.exp %neg3A_319 : vector<16xf32>
      %add3A_321 = arith.constant 1.000000e+00 : f32
      %add3A_322 = vector.broadcast %add3A_321 : f32 to vector<16xf32>
      %add3A_323 = arith.addf %add3A_322, %exp3A_320 : vector<16xf32>
      %div3A_324 = arith.divf %select_n3A_311, %add3A_323 : vector<16xf32>
      %swap3A = arith.index_cast %mul3A_313 : i32 to index
      %swap3A_325 = tpu.vector_load %arg7[%swap3A] {strides = array<i32>} : memref<10240xf32, #tpu.memory_space<vmem>>, vector<16xf32>,
      %swap3A_326 = vector.shape_cast %swap3A_325 : vector<16xf32> to vector<16xf32>
      %swap3A_327 = vector.shape_cast %div3A_324 : vector<16xf32> to vector<16xf32>
      tpu.vector_store %arg7[%swap3A], %swap3A_327 {strides = array<i32>} : memref<10240xf32, #tpu.memory_space<vmem>>, vector<16xf32>,
      %mul3A_328 = arith.constant 8 : i32
      %mul3A_329 = arith.muli %scan3A_303, %mul3A_328 : i32
      %add3A_330 = arith.constant 480 : i32
      %add3A_331 = arith.addi %add3A_330, %mul3A_329 : i32
      %add3A_332 = arith.constant 1 : i32
      %add3A_333 = arith.addi %add3A_331, %add3A_332 : i32
      %lt3A_334 = arith.cmpi slt, %add3A_333, %select_n3A_199 : i32
      %select_n3A_335 = arith.select %lt3A_334, %select_n3A_138, %select_n3A_173 : vector<16xf32>
      %mul3A_336 = arith.constant 16 : i32
      %mul3A_337 = arith.muli %add3A_333, %mul3A_336 : i32
      %get3A_338 = arith.index_cast %mul3A_337 : i32 to index
      %get3A_339 = tpu.vector_load %arg7[%get3A_338] {strides = array<i32>} : memref<10240xf32, #tpu.memory_space<vmem>>, vector<16xf32>,
      %get3A_340 = vector.shape_cast %get3A_339 : vector<16xf32> to vector<16xf32>
      %neg3A_341 = arith.constant 0.000000e+00 : f32
      %neg3A_342 = vector.broadcast %neg3A_341 : f32 to vector<16xf32>
      %neg3A_343 = arith.subf %neg3A_342, %get3A_340 : vector<16xf32>
      %exp3A_344 = math.exp %neg3A_343 : vector<16xf32>
      %add3A_345 = arith.constant 1.000000e+00 : f32
      %add3A_346 = vector.broadcast %add3A_345 : f32 to vector<16xf32>
      %add3A_347 = arith.addf %add3A_346, %exp3A_344 : vector<16xf32>
      %div3A_348 = arith.divf %select_n3A_335, %add3A_347 : vector<16xf32>
      %swap3A_349 = arith.index_cast %mul3A_337 : i32 to index
      %swap3A_350 = tpu.vector_load %arg7[%swap3A_349] {strides = array<i32>} : memref<10240xf32, #tpu.memory_space<vmem>>, vector<16xf32>,
      %swap3A_351 = vector.shape_cast %swap3A_350 : vector<16xf32> to vector<16xf32>
      %swap3A_352 = vector.shape_cast %div3A_348 : vector<16xf32> to vector<16xf32>
      tpu.vector_store %arg7[%swap3A_349], %swap3A_352 {strides = array<i32>} : memref<10240xf32, #tpu.memory_space<vmem>>, vector<16xf32>,
      %mul3A_353 = arith.constant 8 : i32
      %mul3A_354 = arith.muli %scan3A_303, %mul3A_353 : i32
      %add3A_355 = arith.constant 480 : i32
      %add3A_356 = arith.addi %add3A_355, %mul3A_354 : i32
      %add3A_357 = arith.constant 2 : i32
      %add3A_358 = arith.addi %add3A_356, %add3A_357 : i32
      %lt3A_359 = arith.cmpi slt, %add3A_358, %select_n3A_199 : i32
      %select_n3A_360 = arith.select %lt3A_359, %select_n3A_138, %select_n3A_173 : vector<16xf32>
      %mul3A_361 = arith.constant 16 : i32
      %mul3A_362 = arith.muli %add3A_358, %mul3A_361 : i32
      %get3A_363 = arith.index_cast %mul3A_362 : i32 to index
      %get3A_364 = tpu.vector_load %arg7[%get3A_363] {strides = array<i32>} : memref<10240xf32, #tpu.memory_space<vmem>>, vector<16xf32>,
      %get3A_365 = vector.shape_cast %get3A_364 : vector<16xf32> to vector<16xf32>
      %neg3A_366 = arith.constant 0.000000e+00 : f32
      %neg3A_367 = vector.broadcast %neg3A_366 : f32 to vector<16xf32>
      %neg3A_368 = arith.subf %neg3A_367, %get3A_365 : vector<16xf32>
      %exp3A_369 = math.exp %neg3A_368 : vector<16xf32>
      %add3A_370 = arith.constant 1.000000e+00 : f32
      %add3A_371 = vector.broadcast %add3A_370 : f32 to vector<16xf32>
      %add3A_372 = arith.addf %add3A_371, %exp3A_369 : vector<16xf32>
      %div3A_373 = arith.divf %select_n3A_360, %add3A_372 : vector<16xf32>
      %swap3A_374 = arith.index_cast %mul3A_362 : i32 to index
      %swap3A_375 = tpu.vector_load %arg7[%swap3A_374] {strides = array<i32>} : memref<10240xf32, #tpu.memory_space<vmem>>, vector<16xf32>,
      %swap3A_376 = vector.shape_cast %swap3A_375 : vector<16xf32> to vector<16xf32>
      %swap3A_377 = vector.shape_cast %div3A_373 : vector<16xf32> to vector<16xf32>
      tpu.vector_store %arg7[%swap3A_374], %swap3A_377 {strides = array<i32>} : memref<10240xf32, #tpu.memory_space<vmem>>, vector<16xf32>,
      %mul3A_378 = arith.constant 8 : i32
      %mul3A_379 = arith.muli %scan3A_303, %mul3A_378 : i32
      %add3A_380 = arith.constant 480 : i32
      %add3A_381 = arith.addi %add3A_380, %mul3A_379 : i32
      %add3A_382 = arith.constant 3 : i32
      %add3A_383 = arith.addi %add3A_381, %add3A_382 : i32
      %lt3A_384 = arith.cmpi slt, %add3A_383, %select_n3A_199 : i32
      %select_n3A_385 = arith.select %lt3A_384, %select_n3A_138, %select_n3A_173 : vector<16xf32>
      %mul3A_386 = arith.constant 16 : i32
      %mul3A_387 = arith.muli %add3A_383, %mul3A_386 : i32
      %get3A_388 = arith.index_cast %mul3A_387 : i32 to index
      %get3A_389 = tpu.vector_load %arg7[%get3A_388] {strides = array<i32>} : memref<10240xf32, #tpu.memory_space<vmem>>, vector<16xf32>,
      %get3A_390 = vector.shape_cast %get3A_389 : vector<16xf32> to vector<16xf32>
      %neg3A_391 = arith.constant 0.000000e+00 : f32
      %neg3A_392 = vector.broadcast %neg3A_391 : f32 to vector<16xf32>
      %neg3A_393 = arith.subf %neg3A_392, %get3A_390 : vector<16xf32>
      %exp3A_394 = math.exp %neg3A_393 : vector<16xf32>
      %add3A_395 = arith.constant 1.000000e+00 : f32
      %add3A_396 = vector.broadcast %add3A_395 : f32 to vector<16xf32>
      %add3A_397 = arith.addf %add3A_396, %exp3A_394 : vector<16xf32>
      %div3A_398 = arith.divf %select_n3A_385, %add3A_397 : vector<16xf32>
      %swap3A_399 = arith.index_cast %mul3A_387 : i32 to index
      %swap3A_400 = tpu.vector_load %arg7[%swap3A_399] {strides = array<i32>} : memref<10240xf32, #tpu.memory_space<vmem>>, vector<16xf32>,
      %swap3A_401 = vector.shape_cast %swap3A_400 : vector<16xf32> to vector<16xf32>
      %swap3A_402 = vector.shape_cast %div3A_398 : vector<16xf32> to vector<16xf32>
      tpu.vector_store %arg7[%swap3A_399], %swap3A_402 {strides = array<i32>} : memref<10240xf32, #tpu.memory_space<vmem>>, vector<16xf32>,
      %mul3A_403 = arith.constant 8 : i32
      %mul3A_404 = arith.muli %scan3A_303, %mul3A_403 : i32
      %add3A_405 = arith.constant 480 : i32
      %add3A_406 = arith.addi %add3A_405, %mul3A_404 : i32
      %add3A_407 = arith.constant 4 : i32
      %add3A_408 = arith.addi %add3A_406, %add3A_407 : i32
      %lt3A_409 = arith.cmpi slt, %add3A_408, %select_n3A_199 : i32
      %select_n3A_410 = arith.select %lt3A_409, %select_n3A_138, %select_n3A_173 : vector<16xf32>
      %mul3A_411 = arith.constant 16 : i32
      %mul3A_412 = arith.muli %add3A_408, %mul3A_411 : i32
      %get3A_413 = arith.index_cast %mul3A_412 : i32 to index
      %get3A_414 = tpu.vector_load %arg7[%get3A_413] {strides = array<i32>} : memref<10240xf32, #tpu.memory_space<vmem>>, vector<16xf32>,
      %get3A_415 = vector.shape_cast %get3A_414 : vector<16xf32> to vector<16xf32>
      %neg3A_416 = arith.constant 0.000000e+00 : f32
      %neg3A_417 = vector.broadcast %neg3A_416 : f32 to vector<16xf32>
      %neg3A_418 = arith.subf %neg3A_417, %get3A_415 : vector<16xf32>
      %exp3A_419 = math.exp %neg3A_418 : vector<16xf32>
      %add3A_420 = arith.constant 1.000000e+00 : f32
      %add3A_421 = vector.broadcast %add3A_420 : f32 to vector<16xf32>
      %add3A_422 = arith.addf %add3A_421, %exp3A_419 : vector<16xf32>
      %div3A_423 = arith.divf %select_n3A_410, %add3A_422 : vector<16xf32>
      %swap3A_424 = arith.index_cast %mul3A_412 : i32 to index
      %swap3A_425 = tpu.vector_load %arg7[%swap3A_424] {strides = array<i32>} : memref<10240xf32, #tpu.memory_space<vmem>>, vector<16xf32>,
      %swap3A_426 = vector.shape_cast %swap3A_425 : vector<16xf32> to vector<16xf32>
      %swap3A_427 = vector.shape_cast %div3A_423 : vector<16xf32> to vector<16xf32>
      tpu.vector_store %arg7[%swap3A_424], %swap3A_427 {strides = array<i32>} : memref<10240xf32, #tpu.memory_space<vmem>>, vector<16xf32>,
      %mul3A_428 = arith.constant 8 : i32
      %mul3A_429 = arith.muli %scan3A_303, %mul3A_428 : i32
      %add3A_430 = arith.constant 480 : i32
      %add3A_431 = arith.addi %add3A_430, %mul3A_429 : i32
      %add3A_432 = arith.constant 5 : i32
      %add3A_433 = arith.addi %add3A_431, %add3A_432 : i32
      %lt3A_434 = arith.cmpi slt, %add3A_433, %select_n3A_199 : i32
      %select_n3A_435 = arith.select %lt3A_434, %select_n3A_138, %select_n3A_173 : vector<16xf32>
      %mul3A_436 = arith.constant 16 : i32
      %mul3A_437 = arith.muli %add3A_433, %mul3A_436 : i32
      %get3A_438 = arith.index_cast %mul3A_437 : i32 to index
      %get3A_439 = tpu.vector_load %arg7[%get3A_438] {strides = array<i32>} : memref<10240xf32, #tpu.memory_space<vmem>>, vector<16xf32>,
      %get3A_440 = vector.shape_cast %get3A_439 : vector<16xf32> to vector<16xf32>
      %neg3A_441 = arith.constant 0.000000e+00 : f32
      %neg3A_442 = vector.broadcast %neg3A_441 : f32 to vector<16xf32>
      %neg3A_443 = arith.subf %neg3A_442, %get3A_440 : vector<16xf32>
      %exp3A_444 = math.exp %neg3A_443 : vector<16xf32>
      %add3A_445 = arith.constant 1.000000e+00 : f32
      %add3A_446 = vector.broadcast %add3A_445 : f32 to vector<16xf32>
      %add3A_447 = arith.addf %add3A_446, %exp3A_444 : vector<16xf32>
      %div3A_448 = arith.divf %select_n3A_435, %add3A_447 : vector<16xf32>
      %swap3A_449 = arith.index_cast %mul3A_437 : i32 to index
      %swap3A_450 = tpu.vector_load %arg7[%swap3A_449] {strides = array<i32>} : memref<10240xf32, #tpu.memory_space<vmem>>, vector<16xf32>,
      %swap3A_451 = vector.shape_cast %swap3A_450 : vector<16xf32> to vector<16xf32>
      %swap3A_452 = vector.shape_cast %div3A_448 : vector<16xf32> to vector<16xf32>
      tpu.vector_store %arg7[%swap3A_449], %swap3A_452 {strides = array<i32>} : memref<10240xf32, #tpu.memory_space<vmem>>, vector<16xf32>,
      %mul3A_453 = arith.constant 8 : i32
      %mul3A_454 = arith.muli %scan3A_303, %mul3A_453 : i32
      %add3A_455 = arith.constant 480 : i32
      %add3A_456 = arith.addi %add3A_455, %mul3A_454 : i32
      %add3A_457 = arith.constant 6 : i32
      %add3A_458 = arith.addi %add3A_456, %add3A_457 : i32
      %lt3A_459 = arith.cmpi slt, %add3A_458, %select_n3A_199 : i32
      %select_n3A_460 = arith.select %lt3A_459, %select_n3A_138, %select_n3A_173 : vector<16xf32>
      %mul3A_461 = arith.constant 16 : i32
      %mul3A_462 = arith.muli %add3A_458, %mul3A_461 : i32
      %get3A_463 = arith.index_cast %mul3A_462 : i32 to index
      %get3A_464 = tpu.vector_load %arg7[%get3A_463] {strides = array<i32>} : memref<10240xf32, #tpu.memory_space<vmem>>, vector<16xf32>,
      %get3A_465 = vector.shape_cast %get3A_464 : vector<16xf32> to vector<16xf32>
      %neg3A_466 = arith.constant 0.000000e+00 : f32
      %neg3A_467 = vector.broadcast %neg3A_466 : f32 to vector<16xf32>
      %neg3A_468 = arith.subf %neg3A_467, %get3A_465 : vector<16xf32>
      %exp3A_469 = math.exp %neg3A_468 : vector<16xf32>
      %add3A_470 = arith.constant 1.000000e+00 : f32
      %add3A_471 = vector.broadcast %add3A_470 : f32 to vector<16xf32>
      %add3A_472 = arith.addf %add3A_471, %exp3A_469 : vector<16xf32>
      %div3A_473 = arith.divf %select_n3A_460, %add3A_472 : vector<16xf32>
      %swap3A_474 = arith.index_cast %mul3A_462 : i32 to index
      %swap3A_475 = tpu.vector_load %arg7[%swap3A_474] {strides = array<i32>} : memref<10240xf32, #tpu.memory_space<vmem>>, vector<16xf32>,
      %swap3A_476 = vector.shape_cast %swap3A_475 : vector<16xf32> to vector<16xf32>
      %swap3A_477 = vector.shape_cast %div3A_473 : vector<16xf32> to vector<16xf32>
      tpu.vector_store %arg7[%swap3A_474], %swap3A_477 {strides = array<i32>} : memref<10240xf32, #tpu.memory_space<vmem>>, vector<16xf32>,
      %mul3A_478 = arith.constant 8 : i32
      %mul3A_479 = arith.muli %scan3A_303, %mul3A_478 : i32
      %add3A_480 = arith.constant 480 : i32
      %add3A_481 = arith.addi %add3A_480, %mul3A_479 : i32
      %add3A_482 = arith.constant 7 : i32
      %add3A_483 = arith.addi %add3A_481, %add3A_482 : i32
      %lt3A_484 = arith.cmpi slt, %add3A_483, %select_n3A_199 : i32
      %select_n3A_485 = arith.select %lt3A_484, %select_n3A_138, %select_n3A_173 : vector<16xf32>
      %mul3A_486 = arith.constant 16 : i32
      %mul3A_487 = arith.muli %add3A_483, %mul3A_486 : i32
      %get3A_488 = arith.index_cast %mul3A_487 : i32 to index
      %get3A_489 = tpu.vector_load %arg7[%get3A_488] {strides = array<i32>} : memref<10240xf32, #tpu.memory_space<vmem>>, vector<16xf32>,
      %get3A_490 = vector.shape_cast %get3A_489 : vector<16xf32> to vector<16xf32>
      %neg3A_491 = arith.constant 0.000000e+00 : f32
      %neg3A_492 = vector.broadcast %neg3A_491 : f32 to vector<16xf32>
      %neg3A_493 = arith.subf %neg3A_492, %get3A_490 : vector<16xf32>
      %exp3A_494 = math.exp %neg3A_493 : vector<16xf32>
      %add3A_495 = arith.constant 1.000000e+00 : f32
      %add3A_496 = vector.broadcast %add3A_495 : f32 to vector<16xf32>
      %add3A_497 = arith.addf %add3A_496, %exp3A_494 : vector<16xf32>
      %div3A_498 = arith.divf %select_n3A_485, %add3A_497 : vector<16xf32>
      %swap3A_499 = arith.index_cast %mul3A_487 : i32 to index
      %swap3A_500 = tpu.vector_load %arg7[%swap3A_499] {strides = array<i32>} : memref<10240xf32, #tpu.memory_space<vmem>>, vector<16xf32>,
      %swap3A_501 = vector.shape_cast %swap3A_500 : vector<16xf32> to vector<16xf32>
      %swap3A_502 = vector.shape_cast %div3A_498 : vector<16xf32> to vector<16xf32>
      tpu.vector_store %arg7[%swap3A_499], %swap3A_502 {strides = array<i32>} : memref<10240xf32, #tpu.memory_space<vmem>>, vector<16xf32>,
    }
    %scan3A_270 = arith.constant 20 : i32
    %add3A_271 = arith.constant 7680 : i32
    %add3A_272 = arith.addi %mul3A_2, %add3A_271 : i32
    %dma_start3A_273 = arith.constant 7680 : i32
    %dma_start3A_274 = tpu.memref_slice %arg7[%dma_start3A_273] : memref<10240xf32, #tpu.memory_space<vmem>> -> memref<2560xf32, #tpu.memory_space<vmem>>
    %dma_start3A_275 = tpu.memref_slice %arg5[%add3A_272] : memref<327680xf32, #tpu.memory_space<hbm>> -> memref<2560xf32, #tpu.memory_space<hbm>>
    %dma_start3A_276 = tpu.memref_slice %arg5[%add3A_272] : memref<327680xf32, #tpu.memory_space<hbm>> -> memref<2560xf32, #tpu.memory_space<hbm>>
    %dma_start3A_277 = arith.constant 7680 : i32
    %dma_start3A_278 = tpu.memref_slice %arg7[%dma_start3A_277] : memref<10240xf32, #tpu.memory_space<vmem>> -> memref<2560xf32, #tpu.memory_space<vmem>>
    tpu.enqueue_dma source(%dma_start3A_278 : memref<2560xf32, #tpu.memory_space<vmem>>) target(%dma_start3A_276 : memref<2560xf32, #tpu.memory_space<hbm>>) target_semaphore(%arg14 : memref<!tpu.dma_semaphore, #tpu.memory_space<semaphore_mem>>)
    %dma_wait3A_279 = arith.constant 0 : i32
    %dma_wait3A_280 = tpu.memref_slice %arg7[%dma_wait3A_279] : memref<10240xf32, #tpu.memory_space<vmem>> -> memref<2560xf32, #tpu.memory_space<vmem>>
    %dma_wait3A_281 = tpu.memref_slice %arg5[%add3A_212] : memref<327680xf32, #tpu.memory_space<hbm>> -> memref<2560xf32, #tpu.memory_space<hbm>>
    %dma_wait3A_282 = tpu.memref_slice %arg5[%add3A_212] : memref<327680xf32, #tpu.memory_space<hbm>> -> memref<2560xf32, #tpu.memory_space<hbm>>
    %dma_wait3A_283 = arith.constant 0 : i32
    %dma_wait3A_284 = tpu.memref_slice %arg7[%dma_wait3A_283] : memref<10240xf32, #tpu.memory_space<vmem>> -> memref<2560xf32, #tpu.memory_space<vmem>>
    tpu.wait_dma2 semaphore(%arg14 : memref<!tpu.dma_semaphore, #tpu.memory_space<semaphore_mem>>) src(%dma_wait3A_284 : memref<2560xf32, #tpu.memory_space<vmem>>) dst(%dma_wait3A_282 : memref<2560xf32, #tpu.memory_space<hbm>>)
    %dma_wait3A_285 = arith.constant 2560 : i32
    %dma_wait3A_286 = tpu.memref_slice %arg7[%dma_wait3A_285] : memref<10240xf32, #tpu.memory_space<vmem>> -> memref<2560xf32, #tpu.memory_space<vmem>>
    %dma_wait3A_287 = tpu.memref_slice %arg5[%add3A_232] : memref<327680xf32, #tpu.memory_space<hbm>> -> memref<2560xf32, #tpu.memory_space<hbm>>
    %dma_wait3A_288 = tpu.memref_slice %arg5[%add3A_232] : memref<327680xf32, #tpu.memory_space<hbm>> -> memref<2560xf32, #tpu.memory_space<hbm>>
    %dma_wait3A_289 = arith.constant 2560 : i32
    %dma_wait3A_290 = tpu.memref_slice %arg7[%dma_wait3A_289] : memref<10240xf32, #tpu.memory_space<vmem>> -> memref<2560xf32, #tpu.memory_space<vmem>>
    tpu.wait_dma2 semaphore(%arg14 : memref<!tpu.dma_semaphore, #tpu.memory_space<semaphore_mem>>) src(%dma_wait3A_290 : memref<2560xf32, #tpu.memory_space<vmem>>) dst(%dma_wait3A_288 : memref<2560xf32, #tpu.memory_space<hbm>>)
    %dma_wait3A_291 = arith.constant 5120 : i32
    %dma_wait3A_292 = tpu.memref_slice %arg7[%dma_wait3A_291] : memref<10240xf32, #tpu.memory_space<vmem>> -> memref<2560xf32, #tpu.memory_space<vmem>>
    %dma_wait3A_293 = tpu.memref_slice %arg5[%add3A_252] : memref<327680xf32, #tpu.memory_space<hbm>> -> memref<2560xf32, #tpu.memory_space<hbm>>
    %dma_wait3A_294 = tpu.memref_slice %arg5[%add3A_252] : memref<327680xf32, #tpu.memory_space<hbm>> -> memref<2560xf32, #tpu.memory_space<hbm>>
    %dma_wait3A_295 = arith.constant 5120 : i32
    %dma_wait3A_296 = tpu.memref_slice %arg7[%dma_wait3A_295] : memref<10240xf32, #tpu.memory_space<vmem>> -> memref<2560xf32, #tpu.memory_space<vmem>>
    tpu.wait_dma2 semaphore(%arg14 : memref<!tpu.dma_semaphore, #tpu.memory_space<semaphore_mem>>) src(%dma_wait3A_296 : memref<2560xf32, #tpu.memory_space<vmem>>) dst(%dma_wait3A_294 : memref<2560xf32, #tpu.memory_space<hbm>>)
    %dma_wait3A_297 = arith.constant 7680 : i32
    %dma_wait3A_298 = tpu.memref_slice %arg7[%dma_wait3A_297] : memref<10240xf32, #tpu.memory_space<vmem>> -> memref<2560xf32, #tpu.memory_space<vmem>>
    %dma_wait3A_299 = tpu.memref_slice %arg5[%add3A_272] : memref<327680xf32, #tpu.memory_space<hbm>> -> memref<2560xf32, #tpu.memory_space<hbm>>
    %dma_wait3A_300 = tpu.memref_slice %arg5[%add3A_272] : memref<327680xf32, #tpu.memory_space<hbm>> -> memref<2560xf32, #tpu.memory_space<hbm>>
    %dma_wait3A_301 = arith.constant 7680 : i32
    %dma_wait3A_302 = tpu.memref_slice %arg7[%dma_wait3A_301] : memref<10240xf32, #tpu.memory_space<vmem>> -> memref<2560xf32, #tpu.memory_space<vmem>>
    tpu.wait_dma2 semaphore(%arg14 : memref<!tpu.dma_semaphore, #tpu.memory_space<semaphore_mem>>) src(%dma_wait3A_302 : memref<2560xf32, #tpu.memory_space<vmem>>) dst(%dma_wait3A_300 : memref<2560xf32, #tpu.memory_space<hbm>>)
    return
  }
}

</mosaic_0001>

<sc_bundles>
// kernel: kernel.3.cloned.1.call-start
scs
__scs_entry_jumppad:
0x0: {  	(pc) =	sbr.rel $0x88, $3  }
0x1: {  	(tag) =	ssettag $0x0;
	lr =	simm.s32 $0x1  }
0x2: {  	[smem:$0x3F9E] =	sst lr;
	_ =	strace $0xD0000000  }
0x3: {  	_ = 	snop  }
0x4: {  	_ = 	snop  }
0x5: {  	_ = 	snop  }
0x6: {  	_ = 	snop  }
0x7: {  	_ = 	snop  }
__scs_overlays_trampoline_lowered:
0x8: {  	[smem:$0x3FAD] =	sst s0  }
0x9: {  	[smem:$0x3FAE] =	sst s1  }
0xa: {  	[smem:$0x3FAF] =	sst s2  }
0xb: {  	[smem:$0x3FB0] =	sst s3  }
0xc: {  	[smem:$0x3FB1] =	sst s4  }
0xd: {  	[smem:$0x3FB2] =	sst s5  }
0xe: {  	[smem:$0x3FB3] =	sst s6  }
0xf: {  	[smem:$0x3FB4] =	sst s7  }
0x10: {  	[smem:$0x3FB5] =	sst s8  }
0x11: {  	[smem:$0x3FB6] =	sst s9;
	s0 =	simm.s32 @!p0 $0x0  }
0x12: {  	s1 =	sld [smem:$0x3F9C];
	s0 =	simm.s32 @p0 $0x1  }
0x13: {  	[smem:$0x3FB7] =	sst s0;
	s0 =	simm.s32 @!p1 $0x0  }
0x14: {  	s2 =	sld [smem:$0x3F9B];
	s0 =	simm.s32 @p1 $0x1  }
0x15: {  	[smem:$0x3FB8] =	sst s0;
	s0 =	simm.s32 @!p2 $0x0  }
0x16: {  	s3 =	sld [smem:$0x3FDB];
	s0 =	simm.s32 @p2 $0x1  }
0x17: {  	s4 =	simm.s32 $0x1BF5;
	[smem:$0x3FBA] =	sst s0  }
0x18: {  	s0 =	sld [smem:$0x3F9D];
	_ =	swait.ge [sflag:s4], $0x0  }
0x19: {  	s7 =	sld [smem:$0x3F9E]  }
0x1a: {  	s8 =	sadd.s32 $0xFFFFE003, lr  }
0x1b: {  	s9 =	sadd.s32 $0xFFFFFEF7, lr;
	s5 =	simm.s32 $0xFFFFFFFF;
	p2 =	slt.u32 s8, $0xFFFFF086  }
0x1c: {  	p1 =	slt.u32 s9, $0xF7A;
	s5 =	simm.s32 @!p2 $0x0  }
0x1d: {  	s5 =	simm.s32 @p1 $0x1;
	p0 =	seq.s32 s7, s2  }
0x1e: {  	s7 =	smul.u32 @!p0 $0xF7A, s2;
	p2 =	seq.s32 @!p0 s5, $0x0  }
0x1f: {  	s9 =	smul.u32 $0xF7A, s1;
	s8 =	simm.s32 @!p0 $0x1BF5;
	p2 =	por !p2, p0  }
0x20: {  	[sflag:s8] =	ssyncset.s32 @!p0 $0xFFFFF086;
	s6 =	sadd.s32 @!p0 s3, s7;
	s7 =	simm.s32 @!p0 $0x108  }
0x21: {  	s3 =	sadd.s32 s3, s9;
	s6 =	sadd.s32 @!p0 $0x88, s6;
	s7 =	simm.s32 @p2 $0x1082  }
0x22: {  	[simem:s7], [sflag:s8] =	dma.local @!p0 [hbm:s6], $0xF7A  }
0x23: {  	s9 =	sor.u32 $0xD0000000, s2;
	s6 =	simm.s32 $0x108;
	_ =	swait.ge @!p0 [sflag:s8], $0x0  }
0x24: {  	s3 =	sadd.s32 $0x88, s3;
	s6 =	simm.s32 @!p1 $0x1082;
	[sflag:s4] =	ssyncset.s32 $0xFFFFF086  }
0x25: {  	[simem:s6], [sflag:s4] =	dma.local [hbm:s3], $0xF7A  }
0x26: {  	[smem:$0x3F9E] =	sst s1;
	(tag) =	ssettag s2;
	_ =	strace s9  }
0x27: {  	s1 =	sld [smem:$0x3FAE]  }
0x28: {  	s2 =	sld [smem:$0x3FAF]  }
0x29: {  	s4 =	sld [smem:$0x3FB1]  }
0x2a: {  	p0 =	seq.s32 s5, $0x0;
	s5 =	sld [smem:$0x3FB2]  }
0x2b: {  	s6 =	sld [smem:$0x3FB3]  }
0x2c: {  	s7 =	sld [smem:$0x3FB4]  }
0x2d: {  	s3 =	simm.s32 $0x108;
	s8 =	sld [smem:$0x3FB5]  }
0x2e: {  	s3 =	simm.s32 @!p0 $0x1082;
	s9 =	sld [smem:$0x3FB6]  }
0x2f: {  	lr =	sadd.s32 s0, s3;
	s0 =	sld [smem:$0x3FAD]  }
0x30: {  	s3 =	sld [smem:$0x3FB0]  }
0x31: {  	[smem:$0x3FB9] =	sst s10  }
0x32: {  	s10 =	sld [smem:$0x3FB7];
	_ =	sdelay $0x3  }
0x33: {  	p0 =	seq.s32 s10, $0x1;
	s10 =	sld [smem:$0x3FB9];
	_ =	sdelay $0x3  }
0x34: {  	[smem:$0x3FB9] =	sst s10  }
0x35: {  	s10 =	sld [smem:$0x3FB8];
	_ =	sdelay $0x3  }
0x36: {  	p1 =	seq.s32 s10, $0x1;
	s10 =	sld [smem:$0x3FB9];
	_ =	sdelay $0x3  }
0x37: {  	[smem:$0x3FB9] =	sst s10  }
0x38: {  	s10 =	sld [smem:$0x3FBA]  }
0x39: {  	_ = 	snop;
	(pc) =	sbr.ind lr, $3  }
0x3a: {  	_ = 	snop  }
0x3b: {  	_ = 	snop  }
0x3c: {  	p2 =	seq.s32 s10, $0x1;
	s10 =	sld [smem:$0x3FB9]  }
0x3d: {  	_ =	shalt  }
0x3e: {  	_ =	shalt  }
0x3f: {  	_ =	shalt  }
0x40: {  	_ =	shalt  }
0x41: {  	_ =	shalt  }
0x42: {  	_ =	shalt  }
0x43: {  	_ =	shalt  }
0x44: {  	_ =	shalt  }
0x45: {  	_ =	shalt  }
0x46: {  	_ =	shalt  }
0x47: {  	_ =	shalt  }
0x48: {  	_ =	shalt  }
0x49: {  	_ =	shalt  }
0x4a: {  	_ =	shalt  }
0x4b: {  	_ =	shalt  }
0x4c: {  	_ =	shalt  }
0x4d: {  	_ =	shalt  }
0x4e: {  	_ =	shalt  }
0x4f: {  	_ =	shalt  }
0x50: {  	_ =	shalt  }
0x51: {  	_ =	shalt  }
0x52: {  	_ =	shalt  }
0x53: {  	_ =	shalt  }
0x54: {  	_ =	shalt  }
0x55: {  	_ =	shalt  }
0x56: {  	_ =	shalt  }
0x57: {  	_ =	shalt  }
0x58: {  	_ =	shalt  }
0x59: {  	_ =	shalt  }
0x5a: {  	_ =	shalt  }
0x5b: {  	_ =	shalt  }
0x5c: {  	_ =	shalt  }
0x5d: {  	_ =	shalt  }
0x5e: {  	_ =	shalt  }
0x5f: {  	_ =	shalt  }
0x60: {  	_ =	shalt  }
0x61: {  	_ =	shalt  }
0x62: {  	_ =	shalt  }
0x63: {  	_ =	shalt  }
0x64: {  	_ =	shalt  }
0x65: {  	_ =	shalt  }
0x66: {  	_ =	shalt  }
0x67: {  	_ =	shalt  }
0x68: {  	_ =	shalt  }
0x69: {  	_ =	shalt  }
0x6a: {  	_ =	shalt  }
0x6b: {  	_ =	shalt  }
0x6c: {  	_ =	shalt  }
0x6d: {  	_ =	shalt  }
0x6e: {  	_ =	shalt  }
0x6f: {  	_ =	shalt  }
0x70: {  	_ =	shalt  }
0x71: {  	_ =	shalt  }
0x72: {  	_ =	shalt  }
0x73: {  	_ =	shalt  }
0x74: {  	_ =	shalt  }
0x75: {  	_ =	shalt  }
0x76: {  	_ =	shalt  }
0x77: {  	_ =	shalt  }
0x78: {  	_ =	shalt  }
0x79: {  	_ =	shalt  }
0x7a: {  	_ =	shalt  }
0x7b: {  	_ =	shalt  }
0x7c: {  	_ =	shalt  }
0x7d: {  	_ =	shalt  }
0x7e: {  	_ =	shalt  }
0x7f: {  	_ =	shalt  }
0x80: {  	_ =	shalt  }
0x81: {  	_ =	shalt  }
0x82: {  	_ =	shalt  }
0x83: {  	_ =	shalt  }
0x84: {  	_ =	shalt  }
0x85: {  	_ =	shalt  }
0x86: {  	_ =	shalt  }
0x87: {  	_ =	shalt  }
.Lfunc_end0:
.L_simem_size_0:
called_computation_lowered:
.L_overlay_start_0:
0x88: {  	s2 =	sld [smem:$0x3FD9]  }
0x89: {  	s3 =	sld [smem:$0x3FFE];
	_ =	sdelay $0x1  }
0x8a: {  	s1 =	srdreg.scid  }
0x8b: {  	s0 =	sand.u32 $0x1, s1  }
0x8c: {  	s17 =	sshll.u32 s0, $0xA;
	s2 =	sadd.s32 s3, s2  }
0x8d: {  	s2 =	sadd.s32 s2, s17  }
0x8e: {  	[smem:$0x3FC5] =	sst s2  }
0x8f: {  	_ = 	snop  }
0x90: {  	s2 =	sld [smem:$0x3FD0];
	(tm) =	ssettm $0x1  }
0x91: {  	s18 =	sld [smem:$0x3FFB];
	_ =	sdelay $0x3  }
0x92: {  	_ =	strace s18  }
0x93: {  	s3 =	sld [smem:$0x3FFC];
	_ =	sdelay $0x3  }
0x94: {  	_ =	strace s3  }
0x95: {  	s3 =	sld [smem:$0x3FFD];
	_ =	sdelay $0x3  }
0x96: {  	_ =	strace s3  }
0x97: {  	_ =	strace $0x8FFFFFFF  }
0x98: {  	s19 =	sld [smem:$0x3FDB];
	_ =	sdelay $0x1  }
0x99: {  	s4 =	simm.s32 $_scs_section_size  }
0x9a: {  	s5 =	simm.s32 $_size__tile_overlayer_lowered;
	s6 =	simm.s32 $_tile_overlayer_lowered  }
0x9b: {  	s22 =	simm.s32 $0x1BFF;
	s21 =	sshll.u32 s6, $0x1;
	s3 =	sadd.s32 s4, s19  }
0x9c: {  	s7 =	simm.s32 $0x0;
	s20 =	sshll.u32 s5, $0x1;
	s5 =	sadd.s32 s21, s3  }
0x9d: {  	[timem:s7], [sflag:s22] =	dma.local [hbm:s5], s20  }
0x9e: {  	_ =	swait.ge [sflag:s22], s20  }
0x9f: {  	s4 =	ssub.s32 $0x0, s20;
	[sflag:s22] =	ssyncset.done $0x0  }
0xa0: {  	[sflag:s22] =	ssyncadd.s32 s4;
	_ =	sdelay $0x1  }
0xa1: {  	s23 =	simm.s32 $0x1B8B  }
0xa2: {  	_ =	swait.ge [sflag:s23], $0x1  }
0xa3: {  	[sflag:s23] =	ssyncset.done $0x0  }
0xa4: {  	s25 =	simm.s32 $0x1B8E;
	s24 =	sld [smem:$0x3FFE];
	[sflag:s23] =	ssyncadd.s32 $0xFFFFFFFF  }
0xa5: {  	s26 =	simm.s32 $execute0_lowered;
	[smem:$0x3FD2] =	sst s25  }
0xa6: {  	s5 =	sshll.u32 s26, $0x1;
	_ =	strace $0x80000046;
	[dreg:$0x1] =	wrdreg $0xFFFFFFFF  }
0xa7: {  	s28 =	simm.s32 $_size_execute0_lowered;
	s3 =	sadd.s32 s3, s5;
	[dreg:$0x0] =	wrdreg $0x0  }
0xa8: {  	s5 =	sshll.u32 s28, $0x1;
	[dreg:$0x2] =	wrdreg s3  }
0xa9: {  	[dreg:$0x3] =	wrdreg s5  }
0xaa: {  	[dreg:$0x4] =	wrdreg $0xC0  }
0xab: {  	_ =	task [dreg:s7], $0x5FFFF  }
0xac: {  	[dreg:$0x1] =	wrdreg $0xFFFFFFFF  }
0xad: {  	[dreg:$0x0] =	wrdreg $0x60  }
0xae: {  	[dreg:$0x2] =	wrdreg s2  }
0xaf: {  	[dreg:$0x3] =	wrdreg s24  }
0xb0: {  	[dreg:$0x4] =	wrdreg $0x8E800  }
0xb1: {  	[dreg:$0x5] =	wrdreg $0x9  }
0xb2: {  	_ =	task.clear_ibuf [dreg:s7], $0x6FFFF;
	_ =	strace $0x90000046  }
0xb3: {  	s29 =	simm.s32 $0x9;
	_ =	strace $0x80000048  }
0xb4: {  	_ =	swait.ge [sflag:s29], $0x1  }
0xb5: {  	[sflag:s29] =	ssyncadd.s32 $0xFFFFFFFF  }
0xb6: {  	_ =	strace $0x90000048  }
0xb7: {  	_ =	sfence  }
0xb8: {  	s30 =	sld [smem:$0x0];
	_ =	sdelay $0x2  }
0xb9: {  	s31 =	sshll.u32 s1, $0xD;
	s1 =	sshrl.u32 s1, $0x2  }
0xba: {  	s3 =	sand.u32 $0x4000, s31;
	s1 =	sadd.s32 s1, s30  }
0xbb: {  	s0 =	sor.u32 s3, s0;
	s1 =	sshll.u32 s1, $0x11  }
0xbc: {  	s0 =	sor.u32 s1, s0  }
0xbd: {  	s0 =	sadd.s32 $0x8F2B, s0  }
0xbe: {  	[sflag:s0] =	ssyncadd.remote.s32 $0x1  }
0xbf: {  	_ =	sfence.sel $0xFFFF  }
0xc0: {  	[dreg:$0x0] =	wrdreg $0xFFFFFFFF;
	(pc) =	sbr.abs _section_cstart, $3  }
0xc1: {  	[dreg:$0x1] =	wrdreg $0xFFFFFFFF  }
0xc2: {  	_ =	task.clear_ibuf [dreg:s7], $0x2FFFF;
	_ =	strace $0x9FFFFFFF  }
0xc3: {  	(tm) =	ssettm $0x7FFFFFFF  }
tec
execute0_lowered:
.L_overlay_start_1:
0x0: {  	(tag) =	ssettag $0x1  }
0x1: {  	s0 =	rddreg [dreg:$0x0]  }
0x2: {  	s1 =	rddreg [dreg:$0x1]  }
0x3: {  	s2 =	rddreg [dreg:$0x2]  }
0x4: {  	s4 =	srdreg.scid;
	s18 =	stileid.u32  }
0x5: {  	s3 =	simm.s32 $0x0;
	s4 =	sand.u32 $0x1, s4;
	s5 =	sshll.u32 s18, $0x1  }
0x6: {  	s7 =	smul.u32 $0xF440, s18;
	s8 =	sadd.s32 $0x800, s1;
	[smem:$0x7FF] =	sst s3  }
0x7: {  	p1 =	slt.u32 s18, $0xD;
	s6 =	ssub.s32 $0x2, s4;
	s4 =	sor.u32 s4, s5  }
0x8: {  	s25 =	sshrl.u32 s6, $0x1;
	s4 =	smul.u32 $0x2800, s4;
	s26 =	sadd.s32 $0x1E88, s7  }
0x9: {  	s9 =	sshrl.u32 s7, $0x3;
	s11 =	sadd.s32 $0x3D10, s7;
	s19 =	sadd.s32 $0xB730, s7  }
0xa: {  	s20 =	sadd.s32 $0xD5B8, s7;
	s5 =	ssub.s32 s6, s25;
	s10 =	sshrl.u32 s26, $0x3  }
0xb: {  	s9 =	sadd.s32 s8, s9;
	s15 =	sshrl.u32 s11, $0x3;
	s25 =	sadd.s32 s7, s2  }
0xc: {  	s26 =	sadd.s32 s26, s2;
	[dreg:$0x4] =	wrdreg s9;
	s14 =	sadd.s32 s8, s10  }
0xd: {  	s9 =	sadd.s32 s8, s15;
	s10 =	sadd.s32 $0x7A20, s7;
	[dreg:$0x5] =	wrdreg s14  }
0xe: {  	s15 =	sshrl.u32 s19, $0x3;
	[dreg:$0x6] =	wrdreg s9;
	s9 =	sadd.s32 $0x5B98, s7  }
0xf: {  	s13 =	sshrl.u32 s10, $0x3;
	s14 =	sadd.s32 $0x98A8, s7;
	s15 =	sadd.s32 s8, s15  }
0x10: {  	s12 =	sshrl.u32 s9, $0x3;
	s16 =	sadd.s32 s8, s13;
	[dreg:$0xa] =	wrdreg s15  }
0x11: {  	s17 =	sshrl.u32 s14, $0x3;
	s12 =	sadd.s32 s8, s12;
	[dreg:$0x8] =	wrdreg s16  }
0x12: {  	s16 =	sshrl.u32 s20, $0x3;
	[dreg:$0x7] =	wrdreg s12;
	s12 =	sadd.s32 s8, s17  }
0x13: {  	s21 =	sshrl.u32 s4, $0x3;
	s8 =	sadd.s32 s8, s16;
	[dreg:$0x9] =	wrdreg s12  }
0x14: {  	s0 =	sadd.s32 s0, s21;
	s23 =	sadd.s32 s21, s1;
	[dreg:$0xb] =	wrdreg s8  }
0x15: {  	s1 =	sadd.s32 $0x600, s1;
	_ =	strace $0x80000047;
	[dreg:$0xc] =	wrdreg s0  }
0x16: {  	s6 =	sadd.s32 s11, s2;
	s28 =	smax.u32 s5, $0x1;
	[dreg:$0xd] =	wrdreg s1  }
0x17: {  	s7 =	sadd.s32 s9, s2;
	s9 =	sadd.s32 s10, s2;
	[dreg:$0xe] =	wrdreg s25  }
0x18: {  	s10 =	sadd.s32 s14, s2;
	s14 =	sadd.s32 s19, s2;
	[dreg:$0xf] =	wrdreg s26  }
0x19: {  	s15 =	sadd.s32 s20, s2;
	s17 =	sshrl.u32 s4, $0xE;
	[dreg:$0x10] =	wrdreg s6  }
0x1a: {  	s13 =	simm.s32 $0x3C00;
	s24 =	sadd.s32 $0x1, s17;
	[dreg:$0x11] =	wrdreg s7  }
0x1b: {  	s11 =	smax.u32 s17, $0x10;
	s19 =	smin.u32 s17, $0xF;
	[dreg:$0x12] =	wrdreg s9  }
0x1c: {  	s20 =	smax.u32 s17, $0xF;
	s8 =	simm.s32 $0x1;
	[dreg:$0x13] =	wrdreg s10  }
0x1d: {  	s12 =	simm.s32 $0x3200;
	s22 =	sshll.u32 s24, $0xE;
	[dreg:$0x14] =	wrdreg s14  }
0x1e: {  	[dreg:$0x15] =	wrdreg s15;
	s16 =	sadd.s32 $0xFFFFFFF0, s11;
	s21 =	smin.u32 s24, $0xF  }
0x1f: {  	s17 =	sadd.s32 $0xFFFFFFF1, s20;
	s26 =	sadd.s32 $0x1F200, s23;
	s24 =	sadd.s32 $0x1F340, s23  }
0x20: {  	s25 =	sadd.s32 $0x1F480, s23;
	s6 =	simm.s32 $0x5080;
	s7 =	simm.s32 $0x6F80  }
0x21: {  	s9 =	simm.s32 $0x4;
	s10 =	simm.s32 $0xA00;
	s4 =	ssub.s32 s22, s4  }
0x22: {  	s14 =	simm.s32 $0x4600;
	s15 =	simm.s32 $0x2;
	p0 =	slt.s32 s4, $0x2800  }
0x23: {  	[dreg:$0x16] =	wrdreg s26;
	s26 =	sadd.s32 $0x1F5C0, s23;
	s4 =	simm.s32 @!p0 $0x2800  }
0x24: {  	s23 =	simm.s32 $0x2800;
	v0 =	vmov s16;
	s16 =	simm.s32 $0x3;
	s22 =	sshra.s32 s4, $0x4  }
0x25: {  	v1 =	vmov s17;
	s17 =	simm.s32 $0x0;
	p0 =	slt.u32 s18, $0xC;
	s29 =	sadd.s32 $0xFFFFFFFF, s22  }
0x26: {  	v2 =	vmov s19;
	v3 =	vmov s21;
	s30 =	sadd.s32 $0xFFFFFFFE, s22;
	s31 =	sadd.s32 $0xFFFFFFFD, s22;
	s0 =	sadd.s32 $0xFFFFFFFC, s22  }
0x27: {  	v2 =	vbroadcast v2, $0x0;
	v3 =	vbroadcast v3, $0x0;
	s1 =	sadd.s32 $0xFFFFFFFB, s22;
	s4 =	sadd.s32 $0xFFFFFFFA, s22;
	s5 =	sadd.s32 $0xFFFFFFF9, s22  }
.LBB2_1:
0x28: {  	s11 =	rddreg [dreg:$0x4]  }
0x29: {  	[tilespmem:s6], [sflag:$0x1] =	stream.linear.gather [hbm4b:s11+s3], $0x1E88, $0x38;
	[tilespmem:$0x182C0] =	vst v63  }
0x2a: {  	s19 =	rddreg [dreg:$0x5]  }
0x2b: {  	[tilespmem:s7], [sflag:$0x1] =	stream.linear.gather [hbm4b:s19+s3], $0x1E88, $0x38;
	[tilespmem:$0x182C0] =	vst v63  }
0x2c: {  	_ =	swait.ge [sflag:s8], $0x1E88  }
0x2d: {  	[sflag:s8] =	ssyncset.done $0x0  }
0x2e: {  	s20 =	rddreg [dreg:$0xe];
	[sflag:s8] =	ssyncadd.s32 $0xFFFFE178  }
0x2f: {  	[spmem:s20] =	stream.linear.scatter [tilespmem:s6], [sflag:$0x4], $0x1E88, $0x38;
	[tilespmem:$0x182C0] =	vst v63  }
0x30: {  	_ =	swait.ge [sflag:s9], $0x1E88  }
0x31: {  	[sflag:s9] =	ssyncset.done $0x0  }
0x32: {  	s21 =	rddreg [dreg:$0x6];
	[sflag:s9] =	ssyncadd.s32 $0xFFFFE178  }
0x33: {  	[tilespmem:s6], [sflag:$0x1] =	stream.linear.gather [hbm4b:s21+s3], $0x1E88, $0x38;
	[tilespmem:$0x182C0] =	vst v63  }
0x34: {  	_ =	swait.ge [sflag:s8], $0x1E88  }
0x35: {  	[sflag:s8] =	ssyncset.done $0x0  }
0x36: {  	s18 =	rddreg [dreg:$0xf];
	[sflag:s8] =	ssyncadd.s32 $0xFFFFE178  }
0x37: {  	[spmem:s18] =	stream.linear.scatter [tilespmem:s7], [sflag:$0x4], $0x1E88, $0x38;
	[tilespmem:$0x182C0] =	vst v63  }
0x38: {  	_ =	swait.ge [sflag:s9], $0x1E88  }
0x39: {  	[sflag:s9] =	ssyncset.done $0x0  }
0x3a: {  	s19 =	rddreg [dreg:$0x7];
	[sflag:s9] =	ssyncadd.s32 $0xFFFFE178  }
0x3b: {  	[tilespmem:s7], [sflag:$0x1] =	stream.linear.gather [hbm4b:s19+s3], $0x1E88, $0x38;
	[tilespmem:$0x182C0] =	vst v63  }
0x3c: {  	_ =	swait.ge [sflag:s8], $0x1E88  }
0x3d: {  	[sflag:s8] =	ssyncset.done $0x0  }
0x3e: {  	s20 =	rddreg [dreg:$0x10];
	[sflag:s8] =	ssyncadd.s32 $0xFFFFE178  }
0x3f: {  	[spmem:s20] =	stream.linear.scatter [tilespmem:s6], [sflag:$0x4], $0x1E88, $0x38;
	[tilespmem:$0x182C0] =	vst v63  }
0x40: {  	_ =	swait.ge [sflag:s9], $0x1E88  }
0x41: {  	[sflag:s9] =	ssyncset.done $0x0  }
0x42: {  	s21 =	rddreg [dreg:$0x8];
	[sflag:s9] =	ssyncadd.s32 $0xFFFFE178  }
0x43: {  	[tilespmem:s6], [sflag:$0x1] =	stream.linear.gather [hbm4b:s21+s3], $0x1E88, $0x38;
	[tilespmem:$0x182C0] =	vst v63  }
0x44: {  	_ =	swait.ge [sflag:s8], $0x1E88  }
0x45: {  	[sflag:s8] =	ssyncset.done $0x0  }
0x46: {  	s18 =	rddreg [dreg:$0x11];
	[sflag:s8] =	ssyncadd.s32 $0xFFFFE178  }
0x47: {  	[spmem:s18] =	stream.linear.scatter [tilespmem:s7], [sflag:$0x4], $0x1E88, $0x38;
	[tilespmem:$0x182C0] =	vst v63  }
0x48: {  	_ =	swait.ge [sflag:s9], $0x1E88  }
0x49: {  	[sflag:s9] =	ssyncset.done $0x0  }
0x4a: {  	s19 =	rddreg [dreg:$0x9];
	[sflag:s9] =	ssyncadd.s32 $0xFFFFE178  }
0x4b: {  	[tilespmem:s7], [sflag:$0x1] =	stream.linear.gather [hbm4b:s19+s3], $0x1E88, $0x38;
	[tilespmem:$0x182C0] =	vst v63  }
0x4c: {  	_ =	swait.ge [sflag:s8], $0x1E88  }
0x4d: {  	[sflag:s8] =	ssyncset.done $0x0  }
0x4e: {  	s20 =	rddreg [dreg:$0x12];
	[sflag:s8] =	ssyncadd.s32 $0xFFFFE178  }
0x4f: {  	[spmem:s20] =	stream.linear.scatter [tilespmem:s6], [sflag:$0x4], $0x1E88, $0x38;
	[tilespmem:$0x182C0] =	vst v63  }
0x50: {  	_ =	swait.ge [sflag:s9], $0x1E88  }
0x51: {  	[sflag:s9] =	ssyncset.done $0x0  }
0x52: {  	s21 =	rddreg [dreg:$0xa];
	[sflag:s9] =	ssyncadd.s32 $0xFFFFE178  }
0x53: {  	[tilespmem:s6], [sflag:$0x1] =	stream.linear.gather [hbm4b:s21+s3], $0x1E88, $0x38;
	[tilespmem:$0x182C0] =	vst v63  }
0x54: {  	_ =	swait.ge [sflag:s8], $0x1E88  }
0x55: {  	[sflag:s8] =	ssyncset.done $0x0  }
0x56: {  	s18 =	rddreg [dreg:$0x13];
	[sflag:s8] =	ssyncadd.s32 $0xFFFFE178  }
0x57: {  	[spmem:s18] =	stream.linear.scatter [tilespmem:s7], [sflag:$0x4], $0x1E88, $0x38;
	[tilespmem:$0x182C0] =	vst v63  }
0x58: {  	_ =	swait.ge [sflag:s9], $0x1E88  }
0x59: {  	[sflag:s9] =	ssyncset.done $0x0  }
0x5a: {  	s19 =	rddreg [dreg:$0xb];
	[sflag:s9] =	ssyncadd.s32 $0xFFFFE178  }
0x5b: {  	[tilespmem:s7], [sflag:$0x1] =	stream.linear.gather [hbm4b:s19+s3], $0x1E88, $0x38;
	[tilespmem:$0x182C0] =	vst v63  }
0x5c: {  	_ =	swait.ge [sflag:s8], $0x1E88  }
0x5d: {  	[sflag:s8] =	ssyncset.done $0x0  }
0x5e: {  	s20 =	rddreg [dreg:$0x14];
	[sflag:s8] =	ssyncadd.s32 $0xFFFFE178  }
0x5f: {  	[spmem:s20] =	stream.linear.scatter [tilespmem:s6], [sflag:$0x4], $0x1E88, $0x38;
	[tilespmem:$0x182C0] =	vst v63  }
0x60: {  	_ =	swait.ge [sflag:s9], $0x1E88  }
0x61: {  	[sflag:s9] =	ssyncset.done $0x0  }
0x62: {  	[sflag:s9] =	ssyncadd.s32 $0xFFFFE178  }
0x63: {  	_ =	swait.ge [sflag:s8], $0x1E88  }
0x64: {  	[sflag:s8] =	ssyncset.done $0x0  }
0x65: {  	s21 =	rddreg [dreg:$0x15];
	[sflag:s8] =	ssyncadd.s32 $0xFFFFE178  }
0x66: {  	[spmem:s21] =	stream.linear.scatter [tilespmem:s7], [sflag:$0x4], $0x1E88, $0x38;
	[tilespmem:$0x182C0] =	vst v63  }
0x67: {  	_ =	swait.ge [sflag:s9], $0x1E88  }
0x68: {  	[sflag:s9] =	ssyncset.done $0x0  }
0x69: {  	s18 =	rddreg [dreg:$0xc];
	[sflag:s9] =	ssyncadd.s32 $0xFFFFE178  }
0x6a: {  	[tilespmem:s3], [sflag:$0x4] =	stream.linear.gather [hbm4b:s18+s3], $0x2800, $0x38;
	[tilespmem:$0x182C0] =	vst v63  }
0x6b: {  	_ =	swait.ge [sflag:s9], $0x2800  }
0x6c: {  	[sflag:s9] =	ssyncset.done $0x0  }
0x6d: {  	[sflag:s9] =	ssyncadd.s32 $0xFFFFD800  }
0x6e: {  	[bflag:$0x0] =	sbarrier.arrive $0xFFFF  }
0x6f: {  	[tilespmem:s23], [sflag:$0x2] =	stream.indirect.gather [spmem:s2], $0x1, s3, s10, $0xb8;
	[tilespmem:$0x182C0] =	vst v63  }
0x70: {  	_ = 	snop  }
0x71: {  	[tilespmem:s12], [sflag:$0x2] =	stream.indirect.gather [spmem:s2], $0x1, s10, s10, $0xb8;
	[tilespmem:$0x182C0] =	vst v63  }
0x72: {  	s19 =	simm.s32 $0x1400  }
0x73: {  	[tilespmem:s13], [sflag:$0x2] =	stream.indirect.gather [spmem:s2], $0x1, s19, s10, $0xb8;
	[tilespmem:$0x182C0] =	vst v63  }
0x74: {  	s20 =	simm.s32 $0x1E00  }
0x75: {  	[tilespmem:s14], [sflag:$0x2] =	stream.indirect.gather [spmem:s2], $0x1, s20, s10, $0xb8;
	[tilespmem:$0x182C0] =	vst v63  }
0x76: {  	s18 =	simm.s32 $0x5000;
	s21 =	rddreg [dreg:$0xd]  }
0x77: {  	[tilespmem:s18], [sflag:$0x4] =	stream.linear.gather [hbm4b:s21+s3], $0x80, $0x38;
	[tilespmem:$0x182C0] =	vst v63  }
0x78: {  	_ =	swait.ge [sflag:s9], $0x80  }
0x79: {  	[sflag:s9] =	ssyncset.done $0x0  }
0x7a: {  	[sflag:s9] =	ssyncadd.s32 $0xFFFFFF80  }
0x7b: {  	v4 =	vld [tilespmem:$0x5000];
	_ =	sdelay $0x4  }
0x7c: {  	v4 =	vsub.f32 $0.0e+00, v4;
	_ =	sdelay $0x1  }
0x7d: {  	v4 =	vmul.f32 $1.442695020e+00, v4;
	_ =	sdelay $0x1  }
0x7e: {  	(erf) = vpow2.f32 v4;
	_ =	sdelay $0x3  }
0x7f: {  	v4 =	vld [tilespmem:$0x5010];
	_ =	sdelay $0x4  }
0x80: {  	v4 =	vsub.f32 $0.0e+00, v4;
	v5 =	vpop (erf)  }
0x81: {  	v5 =	vadd.f32 $1.000000000e+00, v5  }
0x82: {  	v4 =	vmul.f32 $1.442695020e+00, v4  }
0x83: {  	(erf) = vrcp.f32 v5  }
0x84: {  	(erf) = vpow2.f32 v4;
	_ =	sdelay $0x7  }
0x85: {  	v4 =	vpop (erf)  }
0x86: {  	v5 =	vpop (erf)  }
0x87: {  	v5 =	vadd.f32 $1.000000000e+00, v5;
	_ =	sdelay $0x1  }
0x88: {  	(erf) = vrcp.f32 v5;
	_ =	sdelay $0x8  }
0x89: {  	v5 =	vpop (erf)  }
0x8a: {  	_ =	swait.ge [sflag:s15], $0xA00  }
0x8b: {  	[sflag:s15] =	ssyncset.done $0x0  }
0x8c: {  	s20 =	simm.s32 $0x2840;
	[sflag:s15] =	ssyncadd.s32 $0xFFFFF600  }
0x8d: {  	v10 =	vld [tilespmem:s20+$0xFFFFFFC0]  }
0x8e: {  	v11 =	vld [tilespmem:s20+$0xFFFFFFD0]  }
0x8f: {  	v6 =	vld [tilespmem:s20+$0xFFFFFFE0]  }
0x90: {  	v9 =	vperm.xlane v4, v2;
	v12 =	vperm.xlane v5, v0;
	v7 =	vld [tilespmem:s20+$0x0]  }
0x91: {  	v13 =	vperm.xlane v4, v3;
	v5 =	vperm.xlane v5, v1;
	v8 =	vld [tilespmem:s20+$0x10]  }
0x92: {  	v4 =	vpsel p1, v9, v12;
	v9 =	vld [tilespmem:s20+$0x20];
	v12 =	vsub.f32 $0.0e+00, v10  }
0x93: {  	s19 =	simm.s32 $0x0;
	s21 =	simm.s32 $0x8;
	s18 =	simm.s32 $0x2840;
	v5 =	vpsel p0, v13, v5;
	v11 =	vsub.f32 $0.0e+00, v11;
	v10 =	vld [tilespmem:s20+$0x30]  }
.LBB2_2:
0x94: {  	p2 =	sne.s32 s21, $0x98;
	v12 =	vmul.f32 $1.442695020e+00, v12;
	v6 =	vsub.f32 $0.0e+00, v6;
	v13 =	vld [tilespmem:s20+$0xFFFFFFF0]  }
0x95: {  	v11 =	vmul.f32 $1.442695020e+00, v11;
	v7 =	vsub.f32 $0.0e+00, v7  }
0x96: {  	v6 =	vmul.f32 $1.442695020e+00, v6;
	v8 =	vsub.f32 $0.0e+00, v8;
	(erf) = vpow2.f32 v12  }
0x97: {  	v7 =	vmul.f32 $1.442695020e+00, v7;
	v9 =	vsub.f32 $0.0e+00, v9;
	(erf) = vpow2.f32 v11  }
0x98: {  	v8 =	vmul.f32 $1.442695020e+00, v8;
	v10 =	vsub.f32 $0.0e+00, v10;
	(erf) = vpow2.f32 v6  }
0x99: {  	v6 =	vsub.f32 $0.0e+00, v13;
	v9 =	vmul.f32 $1.442695020e+00, v9;
	(erf) = vpow2.f32 v7  }
0x9a: {  	v7 =	vmul.f32 $1.442695020e+00, v10;
	(erf) = vpow2.f32 v8  }
0x9b: {  	v6 =	vmul.f32 $1.442695020e+00, v6;
	(erf) = vpow2.f32 v9  }
0x9c: {  	(erf) = vpow2.f32 v7  }
0x9d: {  	(erf) = vpow2.f32 v6;
	_ =	sdelay $0x1  }
0x9e: {  	v6 =	vpop (erf)  }
0x9f: {  	v9 =	vadd.f32 $1.000000000e+00, v6;
	v7 =	vpop (erf)  }
0xa0: {  	v10 =	vadd.f32 $1.000000000e+00, v7;
	v8 =	vpop (erf)  }
0xa1: {  	v11 =	vadd.f32 $1.000000000e+00, v8;
	(erf) = vrcp.f32 v9;
	v6 =	vpop (erf)  }
0xa2: {  	v12 =	vadd.f32 $1.000000000e+00, v6;
	(erf) = vrcp.f32 v10;
	v7 =	vpop (erf)  }
0xa3: {  	v7 =	vadd.f32 $1.000000000e+00, v7;
	(erf) = vrcp.f32 v11;
	v8 =	vpop (erf)  }
0xa4: {  	v8 =	vadd.f32 $1.000000000e+00, v8;
	(erf) = vrcp.f32 v12;
	v6 =	vpop (erf)  }
0xa5: {  	v6 =	vadd.f32 $1.000000000e+00, v6;
	v9 =	vpop (erf);
	(erf) = vrcp.f32 v7  }
0xa6: {  	v7 =	vadd.f32 $1.000000000e+00, v9;
	(erf) = vrcp.f32 v8  }
0xa7: {  	(erf) = vrcp.f32 v6  }
0xa8: {  	(erf) = vrcp.f32 v7  }
0xa9: {  	p3 =	slt.s32 s19, s22  }
0xaa: {  	v6 =	vpsel p3, v4, v5;
	p3 =	slt.s32 s19, s29;
	v7 =	vpop (erf)  }
0xab: {  	v6 =	vmul.f32 v7, v6;
	v7 =	vpsel p3, v4, v5;
	p3 =	slt.s32 s19, s30;
	v8 =	vpop (erf)  }
0xac: {  	v7 =	vmul.f32 v8, v7;
	v8 =	vpsel p3, v4, v5;
	p3 =	slt.s32 s19, s0;
	v9 =	vpop (erf)  }
0xad: {  	s20 =	sadd.s32 $0x80, s20;
	[tilespmem:s18+$0xFFFFFFC0] =	vst v6;
	v6 =	vmul.f32 v9, v8;
	v8 =	vpsel p3, v4, v5;
	p3 =	slt.s32 s19, s1;
	v9 =	vpop (erf)  }
0xae: {  	v10 =	vld [tilespmem:s20+$0xFFFFFFC0];
	[tilespmem:s18+$0xFFFFFFD0] =	vst v7;
	v7 =	vmul.f32 v9, v8;
	v8 =	vpsel p3, v4, v5;
	p3 =	slt.s32 s19, s4;
	v9 =	vpop (erf)  }
0xaf: {  	v11 =	vld [tilespmem:s20+$0xFFFFFFD0];
	[tilespmem:s18+$0xFFFFFFE0] =	vst v6;
	v8 =	vmul.f32 v9, v8;
	v9 =	vpsel p3, v4, v5;
	p3 =	slt.s32 s19, s5;
	v12 =	vpop (erf)  }
.Ltmp0:
0xb0: {  	p4 =	slt.s32 s19, s31;
	s19 =	smov.u32 s21;
	v6 =	vld [tilespmem:s20+$0xFFFFFFE0];
	[tilespmem:s18+$0x0] =	vst v7;
	v9 =	vmul.f32 v12, v9;
	v15 =	vpsel p3, v4, v5;
	v13 =	vpop (erf);
	(pc) =	sbr.rel @p2 .LBB2_2-.Ltmp0, $4  }
0xb1: {  	v14 =	vpsel p4, v4, v5;
	v7 =	vld [tilespmem:s20+$0x0];
	[tilespmem:s18+$0x10] =	vst v8;
	v13 =	vmul.f32 v13, v15;
	v12 =	vpop (erf)  }
0xb2: {  	v8 =	vld [tilespmem:s20+$0x10];
	v14 =	vmul.f32 v12, v14;
	[tilespmem:s18+$0x20] =	vst v9  }
0xb3: {  	v12 =	vsub.f32 $0.0e+00, v10;
	v9 =	vld [tilespmem:s20+$0x20];
	[tilespmem:s18+$0x30] =	vst v13  }
0xb4: {  	s21 =	sadd.s32 $0x8, s21;
	v11 =	vsub.f32 $0.0e+00, v11;
	v10 =	vld [tilespmem:s20+$0x30];
	[tilespmem:s18+$0xFFFFFFF0] =	vst v14;
	s18 =	smov.u32 s20  }
0xb5: {  	v12 =	vmul.f32 $1.442695020e+00, v12;
	v13 =	vld [tilespmem:s20+$0xFFFFFFF0]  }
0xb6: {  	v6 =	vsub.f32 $0.0e+00, v6  }
0xb7: {  	v11 =	vmul.f32 $1.442695020e+00, v11;
	(erf) = vpow2.f32 v12  }
0xb8: {  	v7 =	vsub.f32 $0.0e+00, v7;
	v6 =	vmul.f32 $1.442695020e+00, v6  }
0xb9: {  	v8 =	vsub.f32 $0.0e+00, v8;
	v9 =	vsub.f32 $0.0e+00, v9;
	(erf) = vpow2.f32 v11  }
0xba: {  	v7 =	vmul.f32 $1.442695020e+00, v7;
	(erf) = vpow2.f32 v6;
	v6 =	vsub.f32 $0.0e+00, v13  }
0xbb: {  	v8 =	vmul.f32 $1.442695020e+00, v8;
	v10 =	vsub.f32 $0.0e+00, v10;
	v9 =	vmul.f32 $1.442695020e+00, v9  }
0xbc: {  	(erf) = vpow2.f32 v7;
	v6 =	vmul.f32 $1.442695020e+00, v6  }
0xbd: {  	v7 =	vmul.f32 $1.442695020e+00, v10;
	(erf) = vpow2.f32 v8  }
0xbe: {  	(erf) = vpow2.f32 v9  }
0xbf: {  	(erf) = vpow2.f32 v7  }
0xc0: {  	(erf) = vpow2.f32 v6;
	v6 =	vpop (erf)  }
0xc1: {  	v6 =	vadd.f32 $1.000000000e+00, v6;
	_ =	sdelay $0x1  }
0xc2: {  	v7 =	vpop (erf)  }
0xc3: {  	v7 =	vadd.f32 $1.000000000e+00, v7;
	v8 =	vpop (erf)  }
0xc4: {  	v8 =	vadd.f32 $1.000000000e+00, v8;
	(erf) = vrcp.f32 v6;
	v6 =	vpop (erf)  }
0xc5: {  	v6 =	vadd.f32 $1.000000000e+00, v6;
	_ =	sdelay $0x1  }
0xc6: {  	(erf) = vrcp.f32 v7;
	v7 =	vpop (erf)  }
0xc7: {  	(erf) = vrcp.f32 v8;
	v7 =	vadd.f32 $1.000000000e+00, v7;
	v8 =	vpop (erf)  }
0xc8: {  	v8 =	vadd.f32 $1.000000000e+00, v8;
	(erf) = vrcp.f32 v6;
	v6 =	vpop (erf)  }
0xc9: {  	(erf) = vrcp.f32 v7;
	v9 =	vpop (erf)  }
0xca: {  	(erf) = vrcp.f32 v8;
	v7 =	vadd.f32 $1.000000000e+00, v9  }
0xcb: {  	v6 =	vadd.f32 $1.000000000e+00, v6;
	_ =	sdelay $0x1  }
0xcc: {  	p2 =	slt.s32 s19, s22;
	(erf) = vrcp.f32 v6  }
0xcd: {  	p5 =	slt.s32 s19, s29;
	v6 =	vpsel p2, v4, v5;
	(erf) = vrcp.f32 v7;
	v7 =	vpop (erf)  }
0xce: {  	p6 =	slt.s32 s19, s30;
	v6 =	vmul.f32 v7, v6;
	v7 =	vpsel p5, v4, v5;
	v8 =	vpop (erf)  }
0xcf: {  	p3 =	slt.s32 s19, s0;
	v7 =	vmul.f32 v8, v7;
	v8 =	vpsel p6, v4, v5;
	v9 =	vpop (erf)  }
0xd0: {  	p4 =	slt.s32 s19, s1;
	[tilespmem:s18+$0xFFFFFFC0] =	vst v6;
	v6 =	vmul.f32 v9, v8;
	v8 =	vpsel p3, v4, v5;
	v9 =	vpop (erf)  }
0xd1: {  	p5 =	slt.s32 s19, s4;
	[tilespmem:s18+$0xFFFFFFD0] =	vst v7;
	v7 =	vmul.f32 v9, v8;
	v8 =	vpsel p4, v4, v5;
	v9 =	vpop (erf)  }
0xd2: {  	p6 =	slt.s32 s19, s5;
	[tilespmem:s18+$0xFFFFFFE0] =	vst v6;
	v6 =	vmul.f32 v9, v8;
	v8 =	vpsel p5, v4, v5;
	v9 =	vpop (erf)  }
0xd3: {  	[tilespmem:s18+$0x0] =	vst v7;
	v7 =	vmul.f32 v9, v8;
	v8 =	vpsel p6, v4, v5;
	_ =	sdelay $0x1  }
0xd4: {  	p3 =	slt.s32 s19, s31;
	v9 =	vpop (erf)  }
0xd5: {  	v10 =	vpsel p3, v4, v5;
	[tilespmem:s18+$0x10] =	vst v6;
	v6 =	vmul.f32 v9, v8;
	v8 =	vpop (erf)  }
0xd6: {  	[tilespmem:s18+$0x20] =	vst v7;
	v8 =	vmul.f32 v8, v10  }
0xd7: {  	[tilespmem:s18+$0x30] =	vst v6  }
0xd8: {  	s11 =	rddreg [dreg:$0x16];
	[tilespmem:s18+$0xFFFFFFF0] =	vst v8  }
0xd9: {  	[hbm4b:s11+s3] =	stream.linear.scatter [tilespmem:s23], [sflag:$0x3], $0xA00, $0x38;
	[tilespmem:$0x182C0] =	vst v63  }
0xda: {  	_ =	swait.ge [sflag:s15], $0xA00  }
0xdb: {  	[sflag:s15] =	ssyncset.done $0x0  }
0xdc: {  	s20 =	simm.s32 $0x3270;
	[sflag:s15] =	ssyncadd.s32 $0xFFFFF600  }
0xdd: {  	v10 =	vld [tilespmem:s20+$0xFFFFFF90]  }
0xde: {  	v11 =	vld [tilespmem:s20+$0xFFFFFFA0]  }
0xdf: {  	v6 =	vld [tilespmem:s20+$0xFFFFFFB0]  }
0xe0: {  	v7 =	vld [tilespmem:s20+$0xFFFFFFC0]  }
0xe1: {  	v9 =	vld [tilespmem:s20+$0xFFFFFFD0]  }
0xe2: {  	v8 =	vld [tilespmem:s20+$0xFFFFFFE0];
	v12 =	vsub.f32 $0.0e+00, v10  }
0xe3: {  	s21 =	simm.s32 $0xA8;
	s19 =	simm.s32 $0xA0;
	s18 =	simm.s32 $0x3270;
	v11 =	vsub.f32 $0.0e+00, v11;
	v10 =	vld [tilespmem:s20+$0x0]  }
.LBB2_4:
0xe4: {  	p2 =	sne.s32 s21, $0x138;
	v12 =	vmul.f32 $1.442695020e+00, v12;
	v6 =	vsub.f32 $0.0e+00, v6;
	v13 =	vld [tilespmem:s20+$0xFFFFFFF0]  }
0xe5: {  	v11 =	vmul.f32 $1.442695020e+00, v11;
	v7 =	vsub.f32 $0.0e+00, v7  }
0xe6: {  	v6 =	vmul.f32 $1.442695020e+00, v6;
	v9 =	vsub.f32 $0.0e+00, v9;
	(erf) = vpow2.f32 v12  }
0xe7: {  	v7 =	vmul.f32 $1.442695020e+00, v7;
	v8 =	vsub.f32 $0.0e+00, v8;
	(erf) = vpow2.f32 v11  }
0xe8: {  	v9 =	vmul.f32 $1.442695020e+00, v9;
	v10 =	vsub.f32 $0.0e+00, v10;
	(erf) = vpow2.f32 v6  }
0xe9: {  	v6 =	vmul.f32 $1.442695020e+00, v8;
	v8 =	vsub.f32 $0.0e+00, v13;
	(erf) = vpow2.f32 v7  }
0xea: {  	v7 =	vmul.f32 $1.442695020e+00, v10;
	(erf) = vpow2.f32 v9  }
0xeb: {  	v8 =	vmul.f32 $1.442695020e+00, v8;
	(erf) = vpow2.f32 v6  }
0xec: {  	(erf) = vpow2.f32 v7  }
0xed: {  	(erf) = vpow2.f32 v8;
	_ =	sdelay $0x1  }
0xee: {  	v6 =	vpop (erf)  }
0xef: {  	v9 =	vadd.f32 $1.000000000e+00, v6;
	v7 =	vpop (erf)  }
0xf0: {  	v10 =	vadd.f32 $1.000000000e+00, v7;
	v8 =	vpop (erf)  }
0xf1: {  	v11 =	vadd.f32 $1.000000000e+00, v8;
	(erf) = vrcp.f32 v9;
	v6 =	vpop (erf)  }
0xf2: {  	v9 =	vadd.f32 $1.000000000e+00, v6;
	(erf) = vrcp.f32 v10;
	v7 =	vpop (erf)  }
0xf3: {  	v10 =	vadd.f32 $1.000000000e+00, v7;
	(erf) = vrcp.f32 v11;
	v8 =	vpop (erf)  }
0xf4: {  	v8 =	vadd.f32 $1.000000000e+00, v8;
	(erf) = vrcp.f32 v9;
	v6 =	vpop (erf)  }
0xf5: {  	v6 =	vadd.f32 $1.000000000e+00, v6;
	(erf) = vrcp.f32 v10;
	v7 =	vpop (erf)  }
0xf6: {  	v7 =	vadd.f32 $1.000000000e+00, v7;
	(erf) = vrcp.f32 v8  }
0xf7: {  	(erf) = vrcp.f32 v6  }
0xf8: {  	(erf) = vrcp.f32 v7  }
0xf9: {  	p3 =	slt.s32 s19, s22;
	s23 =	sadd.s32 $0x1, s19  }
0xfa: {  	v6 =	vpsel p3, v4, v5;
	p3 =	slt.s32 s23, s22;
	s23 =	sadd.s32 $0x2, s19;
	v7 =	vpop (erf)  }
0xfb: {  	v6 =	vmul.f32 v7, v6;
	v7 =	vpsel p3, v4, v5;
	p3 =	slt.s32 s23, s22;
	s23 =	sadd.s32 $0x3, s19;
	v8 =	vpop (erf)  }
0xfc: {  	v7 =	vmul.f32 v8, v7;
	v8 =	vpsel p3, v4, v5;
	p3 =	slt.s32 s23, s22;
	s23 =	sadd.s32 $0x4, s19;
	v9 =	vpop (erf)  }
0xfd: {  	s20 =	sadd.s32 $0x80, s20;
	[tilespmem:s18+$0xFFFFFF90] =	vst v6;
	v6 =	vmul.f32 v9, v8;
	v8 =	vpsel p3, v4, v5;
	p3 =	slt.s32 s23, s22;
	s23 =	sadd.s32 $0x5, s19;
	v9 =	vpop (erf)  }
0xfe: {  	v10 =	vld [tilespmem:s20+$0xFFFFFF90];
	[tilespmem:s18+$0xFFFFFFA0] =	vst v7;
	v7 =	vmul.f32 v9, v8;
	v8 =	vpsel p3, v4, v5;
	p3 =	slt.s32 s23, s22;
	s23 =	sadd.s32 $0x7, s19;
	v9 =	vpop (erf)  }
0xff: {  	s11 =	sadd.s32 $0x6, s19;
	s19 =	smov.u32 s21;
	v11 =	vld [tilespmem:s20+$0xFFFFFFA0];
	[tilespmem:s18+$0xFFFFFFB0] =	vst v6;
	v8 =	vmul.f32 v9, v8;
	v9 =	vpsel p3, v4, v5;
	p3 =	slt.s32 s23, s22;
	v12 =	vpop (erf)  }
.Ltmp1:
0x100: {  	p4 =	slt.s32 s11, s22;
	v6 =	vld [tilespmem:s20+$0xFFFFFFB0];
	[tilespmem:s18+$0xFFFFFFC0] =	vst v7;
	v12 =	vmul.f32 v12, v9;
	v9 =	vpsel p3, v4, v5;
	v13 =	vpop (erf);
	(pc) =	sbr.rel @p2 .LBB2_4-.Ltmp1, $4  }
0x101: {  	v7 =	vld [tilespmem:s20+$0xFFFFFFC0];
	[tilespmem:s18+$0xFFFFFFD0] =	vst v8;
	v8 =	vpsel p4, v4, v5;
	v13 =	vmul.f32 v13, v9;
	v14 =	vpop (erf)  }
0x102: {  	v9 =	vld [tilespmem:s20+$0xFFFFFFD0];
	[tilespmem:s18+$0xFFFFFFE0] =	vst v12;
	v14 =	vmul.f32 v14, v8  }
0x103: {  	v12 =	vsub.f32 $0.0e+00, v10;
	v8 =	vld [tilespmem:s20+$0xFFFFFFE0];
	[tilespmem:s18+$0x0] =	vst v13  }
0x104: {  	s21 =	sadd.s32 $0x8, s21;
	v11 =	vsub.f32 $0.0e+00, v11;
	v10 =	vld [tilespmem:s20+$0x0];
	[tilespmem:s18+$0xFFFFFFF0] =	vst v14;
	s18 =	smov.u32 s20  }
0x105: {  	v12 =	vmul.f32 $1.442695020e+00, v12  }
0x106: {  	v11 =	vmul.f32 $1.442695020e+00, v11  }
0x107: {  	v6 =	vsub.f32 $0.0e+00, v6;
	(erf) = vpow2.f32 v12  }
0x108: {  	v7 =	vsub.f32 $0.0e+00, v7;
	(erf) = vpow2.f32 v11  }
0x109: {  	v13 =	vld [tilespmem:s20+$0xFFFFFFF0];
	v6 =	vmul.f32 $1.442695020e+00, v6;
	v9 =	vsub.f32 $0.0e+00, v9  }
0x10a: {  	v7 =	vmul.f32 $1.442695020e+00, v7;
	v8 =	vsub.f32 $0.0e+00, v8  }
0x10b: {  	v9 =	vmul.f32 $1.442695020e+00, v9;
	v10 =	vsub.f32 $0.0e+00, v10;
	(erf) = vpow2.f32 v6  }
0x10c: {  	v6 =	vmul.f32 $1.442695020e+00, v8;
	(erf) = vpow2.f32 v7  }
0x10d: {  	v7 =	vmul.f32 $1.442695020e+00, v10;
	(erf) = vpow2.f32 v9  }
0x10e: {  	v8 =	vsub.f32 $0.0e+00, v13;
	_ =	sdelay $0x1  }
0x10f: {  	v8 =	vmul.f32 $1.442695020e+00, v8;
	(erf) = vpow2.f32 v6;
	v6 =	vpop (erf)  }
0x110: {  	(erf) = vpow2.f32 v7;
	v6 =	vadd.f32 $1.000000000e+00, v6;
	v7 =	vpop (erf)  }
0x111: {  	(erf) = vpow2.f32 v8;
	v7 =	vadd.f32 $1.000000000e+00, v7;
	_ =	sdelay $0x1  }
0x112: {  	v8 =	vpop (erf)  }
0x113: {  	v8 =	vadd.f32 $1.000000000e+00, v8;
	(erf) = vrcp.f32 v6;
	v6 =	vpop (erf)  }
0x114: {  	(erf) = vrcp.f32 v7;
	v6 =	vadd.f32 $1.000000000e+00, v6;
	v7 =	vpop (erf)  }
0x115: {  	v7 =	vadd.f32 $1.000000000e+00, v7;
	_ =	sdelay $0x1  }
0x116: {  	(erf) = vrcp.f32 v8;
	v8 =	vpop (erf)  }
0x117: {  	v8 =	vadd.f32 $1.000000000e+00, v8;
	(erf) = vrcp.f32 v6;
	v6 =	vpop (erf)  }
0x118: {  	(erf) = vrcp.f32 v7;
	v6 =	vadd.f32 $1.000000000e+00, v6;
	v7 =	vpop (erf)  }
0x119: {  	(erf) = vrcp.f32 v8;
	v7 =	vadd.f32 $1.000000000e+00, v7  }
0x11a: {  	(erf) = vrcp.f32 v6  }
0x11b: {  	(erf) = vrcp.f32 v7  }
0x11c: {  	p2 =	slt.s32 s19, s22;
	s11 =	sadd.s32 $0x1, s19  }
0x11d: {  	s20 =	sadd.s32 $0x2, s19;
	p5 =	slt.s32 s11, s22;
	v6 =	vpsel p2, v4, v5;
	v7 =	vpop (erf)  }
0x11e: {  	s21 =	sadd.s32 $0x3, s19;
	p6 =	slt.s32 s20, s22;
	v6 =	vmul.f32 v7, v6;
	v7 =	vpsel p5, v4, v5;
	v8 =	vpop (erf)  }
0x11f: {  	s23 =	sadd.s32 $0x4, s19;
	p3 =	slt.s32 s21, s22;
	v7 =	vmul.f32 v8, v7;
	v8 =	vpsel p6, v4, v5;
	v9 =	vpop (erf)  }
0x120: {  	p4 =	slt.s32 s23, s22;
	s20 =	sadd.s32 $0x5, s19;
	[tilespmem:s18+$0xFFFFFF90] =	vst v6;
	v6 =	vmul.f32 v9, v8;
	v8 =	vpsel p3, v4, v5;
	v9 =	vpop (erf)  }
0x121: {  	s21 =	sadd.s32 $0x7, s19;
	p5 =	slt.s32 s20, s22;
	[tilespmem:s18+$0xFFFFFFA0] =	vst v7;
	v7 =	vmul.f32 v9, v8;
	v8 =	vpsel p4, v4, v5;
	v9 =	vpop (erf)  }
0x122: {  	s23 =	sadd.s32 $0x6, s19;
	p6 =	slt.s32 s21, s22;
	[tilespmem:s18+$0xFFFFFFB0] =	vst v6;
	v6 =	vmul.f32 v9, v8;
	v8 =	vpsel p5, v4, v5;
	v9 =	vpop (erf)  }
0x123: {  	p3 =	slt.s32 s23, s22;
	[tilespmem:s18+$0xFFFFFFC0] =	vst v7;
	v7 =	vmul.f32 v9, v8;
	v8 =	vpsel p6, v4, v5;
	v9 =	vpop (erf)  }
0x124: {  	[tilespmem:s18+$0xFFFFFFD0] =	vst v6;
	v6 =	vpsel p3, v4, v5;
	v8 =	vmul.f32 v9, v8;
	v9 =	vpop (erf)  }
0x125: {  	[tilespmem:s18+$0xFFFFFFE0] =	vst v7;
	v6 =	vmul.f32 v9, v6  }
0x126: {  	[tilespmem:s18+$0x0] =	vst v8  }
0x127: {  	[tilespmem:s18+$0xFFFFFFF0] =	vst v6  }
0x128: {  	[hbm4b:s24+s3] =	stream.linear.scatter [tilespmem:s12], [sflag:$0x3], $0xA00, $0x38;
	[tilespmem:$0x182C0] =	vst v63  }
0x129: {  	_ =	swait.ge [sflag:s15], $0xA00  }
0x12a: {  	[sflag:s15] =	ssyncset.done $0x0  }
0x12b: {  	s20 =	simm.s32 $0x3C70;
	[sflag:s15] =	ssyncadd.s32 $0xFFFFF600  }
0x12c: {  	v10 =	vld [tilespmem:s20+$0xFFFFFF90]  }
0x12d: {  	v11 =	vld [tilespmem:s20+$0xFFFFFFA0]  }
0x12e: {  	v6 =	vld [tilespmem:s20+$0xFFFFFFB0]  }
0x12f: {  	v7 =	vld [tilespmem:s20+$0xFFFFFFC0]  }
0x130: {  	v9 =	vld [tilespmem:s20+$0xFFFFFFD0]  }
0x131: {  	v8 =	vld [tilespmem:s20+$0xFFFFFFE0];
	v12 =	vsub.f32 $0.0e+00, v10  }
0x132: {  	s19 =	simm.s32 $0x140;
	s21 =	simm.s32 $0x148;
	s18 =	simm.s32 $0x3C70;
	v11 =	vsub.f32 $0.0e+00, v11;
	v10 =	vld [tilespmem:s20+$0x0]  }
.LBB2_6:
0x133: {  	p2 =	sne.s32 s21, $0x1D8;
	v12 =	vmul.f32 $1.442695020e+00, v12;
	v6 =	vsub.f32 $0.0e+00, v6;
	v13 =	vld [tilespmem:s20+$0xFFFFFFF0]  }
0x134: {  	v11 =	vmul.f32 $1.442695020e+00, v11;
	v7 =	vsub.f32 $0.0e+00, v7  }
0x135: {  	v6 =	vmul.f32 $1.442695020e+00, v6;
	v9 =	vsub.f32 $0.0e+00, v9;
	(erf) = vpow2.f32 v12  }
0x136: {  	v7 =	vmul.f32 $1.442695020e+00, v7;
	v8 =	vsub.f32 $0.0e+00, v8;
	(erf) = vpow2.f32 v11  }
0x137: {  	v9 =	vmul.f32 $1.442695020e+00, v9;
	v10 =	vsub.f32 $0.0e+00, v10;
	(erf) = vpow2.f32 v6  }
0x138: {  	v6 =	vmul.f32 $1.442695020e+00, v8;
	v8 =	vsub.f32 $0.0e+00, v13;
	(erf) = vpow2.f32 v7  }
0x139: {  	v7 =	vmul.f32 $1.442695020e+00, v10;
	(erf) = vpow2.f32 v9  }
0x13a: {  	v8 =	vmul.f32 $1.442695020e+00, v8;
	(erf) = vpow2.f32 v6  }
0x13b: {  	(erf) = vpow2.f32 v7  }
0x13c: {  	(erf) = vpow2.f32 v8;
	_ =	sdelay $0x1  }
0x13d: {  	v6 =	vpop (erf)  }
0x13e: {  	v9 =	vadd.f32 $1.000000000e+00, v6;
	v7 =	vpop (erf)  }
0x13f: {  	v10 =	vadd.f32 $1.000000000e+00, v7;
	v8 =	vpop (erf)  }
0x140: {  	v11 =	vadd.f32 $1.000000000e+00, v8;
	(erf) = vrcp.f32 v9;
	v6 =	vpop (erf)  }
0x141: {  	v9 =	vadd.f32 $1.000000000e+00, v6;
	(erf) = vrcp.f32 v10;
	v7 =	vpop (erf)  }
0x142: {  	v10 =	vadd.f32 $1.000000000e+00, v7;
	(erf) = vrcp.f32 v11;
	v8 =	vpop (erf)  }
0x143: {  	v8 =	vadd.f32 $1.000000000e+00, v8;
	(erf) = vrcp.f32 v9;
	v6 =	vpop (erf)  }
0x144: {  	v6 =	vadd.f32 $1.000000000e+00, v6;
	(erf) = vrcp.f32 v10;
	v7 =	vpop (erf)  }
0x145: {  	v7 =	vadd.f32 $1.000000000e+00, v7;
	(erf) = vrcp.f32 v8  }
0x146: {  	(erf) = vrcp.f32 v6  }
0x147: {  	(erf) = vrcp.f32 v7  }
0x148: {  	p3 =	slt.s32 s19, s22;
	s11 =	sadd.s32 $0x1, s19  }
0x149: {  	v6 =	vpsel p3, v4, v5;
	p3 =	slt.s32 s11, s22;
	s11 =	sadd.s32 $0x2, s19;
	v7 =	vpop (erf)  }
0x14a: {  	v6 =	vmul.f32 v7, v6;
	v7 =	vpsel p3, v4, v5;
	p3 =	slt.s32 s11, s22;
	s11 =	sadd.s32 $0x3, s19;
	v8 =	vpop (erf)  }
0x14b: {  	v7 =	vmul.f32 v8, v7;
	v8 =	vpsel p3, v4, v5;
	p3 =	slt.s32 s11, s22;
	s11 =	sadd.s32 $0x4, s19;
	v9 =	vpop (erf)  }
0x14c: {  	s20 =	sadd.s32 $0x80, s20;
	[tilespmem:s18+$0xFFFFFF90] =	vst v6;
	v6 =	vmul.f32 v9, v8;
	v8 =	vpsel p3, v4, v5;
	p3 =	slt.s32 s11, s22;
	s11 =	sadd.s32 $0x5, s19;
	v9 =	vpop (erf)  }
0x14d: {  	v10 =	vld [tilespmem:s20+$0xFFFFFF90];
	[tilespmem:s18+$0xFFFFFFA0] =	vst v7;
	v7 =	vmul.f32 v9, v8;
	v8 =	vpsel p3, v4, v5;
	p3 =	slt.s32 s11, s22;
	s11 =	sadd.s32 $0x7, s19;
	v9 =	vpop (erf)  }
0x14e: {  	s23 =	sadd.s32 $0x6, s19;
	s19 =	smov.u32 s21;
	v11 =	vld [tilespmem:s20+$0xFFFFFFA0];
	[tilespmem:s18+$0xFFFFFFB0] =	vst v6;
	v8 =	vmul.f32 v9, v8;
	v9 =	vpsel p3, v4, v5;
	p3 =	slt.s32 s11, s22;
	v12 =	vpop (erf)  }
.Ltmp2:
0x14f: {  	p4 =	slt.s32 s23, s22;
	v6 =	vld [tilespmem:s20+$0xFFFFFFB0];
	[tilespmem:s18+$0xFFFFFFC0] =	vst v7;
	v12 =	vmul.f32 v12, v9;
	v9 =	vpsel p3, v4, v5;
	v13 =	vpop (erf);
	(pc) =	sbr.rel @p2 .LBB2_6-.Ltmp2, $4  }
0x150: {  	v7 =	vld [tilespmem:s20+$0xFFFFFFC0];
	[tilespmem:s18+$0xFFFFFFD0] =	vst v8;
	v8 =	vpsel p4, v4, v5;
	v13 =	vmul.f32 v13, v9;
	v14 =	vpop (erf)  }
0x151: {  	v9 =	vld [tilespmem:s20+$0xFFFFFFD0];
	[tilespmem:s18+$0xFFFFFFE0] =	vst v12;
	v14 =	vmul.f32 v14, v8  }
0x152: {  	v12 =	vsub.f32 $0.0e+00, v10;
	v8 =	vld [tilespmem:s20+$0xFFFFFFE0];
	[tilespmem:s18+$0x0] =	vst v13  }
0x153: {  	s21 =	sadd.s32 $0x8, s21;
	v11 =	vsub.f32 $0.0e+00, v11;
	v10 =	vld [tilespmem:s20+$0x0];
	[tilespmem:s18+$0xFFFFFFF0] =	vst v14;
	s18 =	smov.u32 s20  }
0x154: {  	v12 =	vmul.f32 $1.442695020e+00, v12  }
0x155: {  	v11 =	vmul.f32 $1.442695020e+00, v11  }
0x156: {  	v6 =	vsub.f32 $0.0e+00, v6;
	(erf) = vpow2.f32 v12  }
0x157: {  	v7 =	vsub.f32 $0.0e+00, v7;
	(erf) = vpow2.f32 v11  }
0x158: {  	v13 =	vld [tilespmem:s20+$0xFFFFFFF0];
	v6 =	vmul.f32 $1.442695020e+00, v6;
	v9 =	vsub.f32 $0.0e+00, v9  }
0x159: {  	v7 =	vmul.f32 $1.442695020e+00, v7;
	v8 =	vsub.f32 $0.0e+00, v8  }
0x15a: {  	v9 =	vmul.f32 $1.442695020e+00, v9;
	v10 =	vsub.f32 $0.0e+00, v10;
	(erf) = vpow2.f32 v6  }
0x15b: {  	v6 =	vmul.f32 $1.442695020e+00, v8;
	(erf) = vpow2.f32 v7  }
0x15c: {  	v7 =	vmul.f32 $1.442695020e+00, v10;
	(erf) = vpow2.f32 v9  }
0x15d: {  	v8 =	vsub.f32 $0.0e+00, v13;
	_ =	sdelay $0x1  }
0x15e: {  	v8 =	vmul.f32 $1.442695020e+00, v8;
	(erf) = vpow2.f32 v6;
	v6 =	vpop (erf)  }
0x15f: {  	(erf) = vpow2.f32 v7;
	v6 =	vadd.f32 $1.000000000e+00, v6;
	v7 =	vpop (erf)  }
0x160: {  	(erf) = vpow2.f32 v8;
	v7 =	vadd.f32 $1.000000000e+00, v7;
	_ =	sdelay $0x1  }
0x161: {  	v8 =	vpop (erf)  }
0x162: {  	v8 =	vadd.f32 $1.000000000e+00, v8;
	(erf) = vrcp.f32 v6;
	v6 =	vpop (erf)  }
0x163: {  	(erf) = vrcp.f32 v7;
	v6 =	vadd.f32 $1.000000000e+00, v6;
	v7 =	vpop (erf)  }
0x164: {  	v7 =	vadd.f32 $1.000000000e+00, v7;
	_ =	sdelay $0x1  }
0x165: {  	(erf) = vrcp.f32 v8;
	v8 =	vpop (erf)  }
0x166: {  	v8 =	vadd.f32 $1.000000000e+00, v8;
	(erf) = vrcp.f32 v6;
	v6 =	vpop (erf)  }
0x167: {  	(erf) = vrcp.f32 v7;
	v6 =	vadd.f32 $1.000000000e+00, v6;
	v7 =	vpop (erf)  }
0x168: {  	(erf) = vrcp.f32 v8;
	v7 =	vadd.f32 $1.000000000e+00, v7  }
0x169: {  	(erf) = vrcp.f32 v6  }
0x16a: {  	(erf) = vrcp.f32 v7  }
0x16b: {  	p2 =	slt.s32 s19, s22;
	s11 =	sadd.s32 $0x1, s19  }
0x16c: {  	s20 =	sadd.s32 $0x2, s19;
	p5 =	slt.s32 s11, s22;
	v6 =	vpsel p2, v4, v5;
	v7 =	vpop (erf)  }
0x16d: {  	s21 =	sadd.s32 $0x3, s19;
	p6 =	slt.s32 s20, s22;
	v6 =	vmul.f32 v7, v6;
	v7 =	vpsel p5, v4, v5;
	v8 =	vpop (erf)  }
0x16e: {  	s23 =	sadd.s32 $0x4, s19;
	p3 =	slt.s32 s21, s22;
	v7 =	vmul.f32 v8, v7;
	v8 =	vpsel p6, v4, v5;
	v9 =	vpop (erf)  }
0x16f: {  	p4 =	slt.s32 s23, s22;
	s20 =	sadd.s32 $0x5, s19;
	[tilespmem:s18+$0xFFFFFF90] =	vst v6;
	v6 =	vmul.f32 v9, v8;
	v8 =	vpsel p3, v4, v5;
	v9 =	vpop (erf)  }
0x170: {  	s21 =	sadd.s32 $0x7, s19;
	p5 =	slt.s32 s20, s22;
	[tilespmem:s18+$0xFFFFFFA0] =	vst v7;
	v7 =	vmul.f32 v9, v8;
	v8 =	vpsel p4, v4, v5;
	v9 =	vpop (erf)  }
0x171: {  	s23 =	sadd.s32 $0x6, s19;
	p6 =	slt.s32 s21, s22;
	[tilespmem:s18+$0xFFFFFFB0] =	vst v6;
	v6 =	vmul.f32 v9, v8;
	v8 =	vpsel p5, v4, v5;
	v9 =	vpop (erf)  }
0x172: {  	p3 =	slt.s32 s23, s22;
	[tilespmem:s18+$0xFFFFFFC0] =	vst v7;
	v7 =	vmul.f32 v9, v8;
	v8 =	vpsel p6, v4, v5;
	v9 =	vpop (erf)  }
0x173: {  	[tilespmem:s18+$0xFFFFFFD0] =	vst v6;
	v6 =	vpsel p3, v4, v5;
	v8 =	vmul.f32 v9, v8;
	v9 =	vpop (erf)  }
0x174: {  	[tilespmem:s18+$0xFFFFFFE0] =	vst v7;
	v6 =	vmul.f32 v9, v6  }
0x175: {  	[tilespmem:s18+$0x0] =	vst v8  }
0x176: {  	[tilespmem:s18+$0xFFFFFFF0] =	vst v6  }
0x177: {  	[hbm4b:s25+s3] =	stream.linear.scatter [tilespmem:s13], [sflag:$0x3], $0xA00, $0x38;
	[tilespmem:$0x182C0] =	vst v63  }
0x178: {  	_ =	swait.ge [sflag:s15], $0xA00  }
0x179: {  	[sflag:s15] =	ssyncset.done $0x0  }
0x17a: {  	s20 =	simm.s32 $0x4670;
	[sflag:s15] =	ssyncadd.s32 $0xFFFFF600  }
0x17b: {  	v10 =	vld [tilespmem:s20+$0xFFFFFF90]  }
0x17c: {  	v11 =	vld [tilespmem:s20+$0xFFFFFFA0]  }
0x17d: {  	v6 =	vld [tilespmem:s20+$0xFFFFFFB0]  }
0x17e: {  	v7 =	vld [tilespmem:s20+$0xFFFFFFC0]  }
0x17f: {  	v9 =	vld [tilespmem:s20+$0xFFFFFFD0]  }
0x180: {  	v8 =	vld [tilespmem:s20+$0xFFFFFFE0];
	v12 =	vsub.f32 $0.0e+00, v10  }
0x181: {  	s19 =	simm.s32 $0x1E0;
	s21 =	simm.s32 $0x1E8;
	s18 =	simm.s32 $0x4670;
	v11 =	vsub.f32 $0.0e+00, v11;
	v10 =	vld [tilespmem:s20+$0x0]  }
.LBB2_8:
0x182: {  	p2 =	sne.s32 s21, $0x278;
	v12 =	vmul.f32 $1.442695020e+00, v12;
	v6 =	vsub.f32 $0.0e+00, v6;
	v13 =	vld [tilespmem:s20+$0xFFFFFFF0]  }
0x183: {  	v11 =	vmul.f32 $1.442695020e+00, v11;
	v7 =	vsub.f32 $0.0e+00, v7  }
0x184: {  	v6 =	vmul.f32 $1.442695020e+00, v6;
	v9 =	vsub.f32 $0.0e+00, v9;
	(erf) = vpow2.f32 v12  }
0x185: {  	v7 =	vmul.f32 $1.442695020e+00, v7;
	v8 =	vsub.f32 $0.0e+00, v8;
	(erf) = vpow2.f32 v11  }
0x186: {  	v9 =	vmul.f32 $1.442695020e+00, v9;
	v10 =	vsub.f32 $0.0e+00, v10;
	(erf) = vpow2.f32 v6  }
0x187: {  	v6 =	vmul.f32 $1.442695020e+00, v8;
	v8 =	vsub.f32 $0.0e+00, v13;
	(erf) = vpow2.f32 v7  }
0x188: {  	v7 =	vmul.f32 $1.442695020e+00, v10;
	(erf) = vpow2.f32 v9  }
0x189: {  	v8 =	vmul.f32 $1.442695020e+00, v8;
	(erf) = vpow2.f32 v6  }
0x18a: {  	(erf) = vpow2.f32 v7  }
0x18b: {  	(erf) = vpow2.f32 v8;
	_ =	sdelay $0x1  }
0x18c: {  	v6 =	vpop (erf)  }
0x18d: {  	v9 =	vadd.f32 $1.000000000e+00, v6;
	v7 =	vpop (erf)  }
0x18e: {  	v10 =	vadd.f32 $1.000000000e+00, v7;
	v8 =	vpop (erf)  }
0x18f: {  	v11 =	vadd.f32 $1.000000000e+00, v8;
	(erf) = vrcp.f32 v9;
	v6 =	vpop (erf)  }
0x190: {  	v9 =	vadd.f32 $1.000000000e+00, v6;
	(erf) = vrcp.f32 v10;
	v7 =	vpop (erf)  }
0x191: {  	v10 =	vadd.f32 $1.000000000e+00, v7;
	(erf) = vrcp.f32 v11;
	v8 =	vpop (erf)  }
0x192: {  	v8 =	vadd.f32 $1.000000000e+00, v8;
	(erf) = vrcp.f32 v9;
	v6 =	vpop (erf)  }
0x193: {  	v6 =	vadd.f32 $1.000000000e+00, v6;
	(erf) = vrcp.f32 v10;
	v7 =	vpop (erf)  }
0x194: {  	v7 =	vadd.f32 $1.000000000e+00, v7;
	(erf) = vrcp.f32 v8  }
0x195: {  	(erf) = vrcp.f32 v6  }
0x196: {  	(erf) = vrcp.f32 v7  }
0x197: {  	p3 =	slt.s32 s19, s22;
	s11 =	sadd.s32 $0x1, s19  }
0x198: {  	v6 =	vpsel p3, v4, v5;
	p3 =	slt.s32 s11, s22;
	s11 =	sadd.s32 $0x2, s19;
	v7 =	vpop (erf)  }
0x199: {  	v6 =	vmul.f32 v7, v6;
	v7 =	vpsel p3, v4, v5;
	p3 =	slt.s32 s11, s22;
	s11 =	sadd.s32 $0x3, s19;
	v8 =	vpop (erf)  }
0x19a: {  	v7 =	vmul.f32 v8, v7;
	v8 =	vpsel p3, v4, v5;
	p3 =	slt.s32 s11, s22;
	s11 =	sadd.s32 $0x4, s19;
	v9 =	vpop (erf)  }
0x19b: {  	s20 =	sadd.s32 $0x80, s20;
	[tilespmem:s18+$0xFFFFFF90] =	vst v6;
	v6 =	vmul.f32 v9, v8;
	v8 =	vpsel p3, v4, v5;
	p3 =	slt.s32 s11, s22;
	s11 =	sadd.s32 $0x5, s19;
	v9 =	vpop (erf)  }
0x19c: {  	v10 =	vld [tilespmem:s20+$0xFFFFFF90];
	[tilespmem:s18+$0xFFFFFFA0] =	vst v7;
	v7 =	vmul.f32 v9, v8;
	v8 =	vpsel p3, v4, v5;
	p3 =	slt.s32 s11, s22;
	s11 =	sadd.s32 $0x7, s19;
	v9 =	vpop (erf)  }
0x19d: {  	s23 =	sadd.s32 $0x6, s19;
	s19 =	smov.u32 s21;
	v11 =	vld [tilespmem:s20+$0xFFFFFFA0];
	[tilespmem:s18+$0xFFFFFFB0] =	vst v6;
	v8 =	vmul.f32 v9, v8;
	v9 =	vpsel p3, v4, v5;
	p3 =	slt.s32 s11, s22;
	v12 =	vpop (erf)  }
.Ltmp3:
0x19e: {  	p4 =	slt.s32 s23, s22;
	v6 =	vld [tilespmem:s20+$0xFFFFFFB0];
	[tilespmem:s18+$0xFFFFFFC0] =	vst v7;
	v12 =	vmul.f32 v12, v9;
	v9 =	vpsel p3, v4, v5;
	v13 =	vpop (erf);
	(pc) =	sbr.rel @p2 .LBB2_8-.Ltmp3, $4  }
0x19f: {  	v7 =	vld [tilespmem:s20+$0xFFFFFFC0];
	[tilespmem:s18+$0xFFFFFFD0] =	vst v8;
	v8 =	vpsel p4, v4, v5;
	v13 =	vmul.f32 v13, v9;
	v14 =	vpop (erf)  }
0x1a0: {  	v9 =	vld [tilespmem:s20+$0xFFFFFFD0];
	[tilespmem:s18+$0xFFFFFFE0] =	vst v12;
	v14 =	vmul.f32 v14, v8  }
0x1a1: {  	v12 =	vsub.f32 $0.0e+00, v10;
	v8 =	vld [tilespmem:s20+$0xFFFFFFE0];
	[tilespmem:s18+$0x0] =	vst v13  }
0x1a2: {  	s21 =	sadd.s32 $0x8, s21;
	v11 =	vsub.f32 $0.0e+00, v11;
	v10 =	vld [tilespmem:s20+$0x0];
	[tilespmem:s18+$0xFFFFFFF0] =	vst v14;
	s18 =	smov.u32 s20  }
0x1a3: {  	v12 =	vmul.f32 $1.442695020e+00, v12;
	v6 =	vsub.f32 $0.0e+00, v6;
	v13 =	vld [tilespmem:s20+$0xFFFFFFF0]  }
0x1a4: {  	v11 =	vmul.f32 $1.442695020e+00, v11;
	v7 =	vsub.f32 $0.0e+00, v7  }
0x1a5: {  	v6 =	vmul.f32 $1.442695020e+00, v6;
	v9 =	vsub.f32 $0.0e+00, v9;
	(erf) = vpow2.f32 v12  }
0x1a6: {  	v7 =	vmul.f32 $1.442695020e+00, v7;
	v8 =	vsub.f32 $0.0e+00, v8;
	(erf) = vpow2.f32 v11  }
0x1a7: {  	v9 =	vmul.f32 $1.442695020e+00, v9;
	v10 =	vsub.f32 $0.0e+00, v10;
	(erf) = vpow2.f32 v6  }
0x1a8: {  	v34 =	vmul.f32 $1.442695020e+00, v8;
	v35 =	vsub.f32 $0.0e+00, v13;
	(erf) = vpow2.f32 v7  }
0x1a9: {  	v36 =	vmul.f32 $1.442695020e+00, v10;
	(erf) = vpow2.f32 v9  }
0x1aa: {  	v8 =	vmul.f32 $1.442695020e+00, v35;
	(erf) = vpow2.f32 v34  }
0x1ab: {  	(erf) = vpow2.f32 v36  }
0x1ac: {  	(erf) = vpow2.f32 v8;
	_ =	sdelay $0x1  }
0x1ad: {  	v37 =	vpop (erf)  }
0x1ae: {  	v6 =	vadd.f32 $1.000000000e+00, v37;
	v38 =	vpop (erf)  }
0x1af: {  	v7 =	vadd.f32 $1.000000000e+00, v38;
	v39 =	vpop (erf)  }
0x1b0: {  	v8 =	vadd.f32 $1.000000000e+00, v39;
	(erf) = vrcp.f32 v6;
	v40 =	vpop (erf)  }
0x1b1: {  	v6 =	vadd.f32 $1.000000000e+00, v40;
	(erf) = vrcp.f32 v7;
	v41 =	vpop (erf)  }
0x1b2: {  	v7 =	vadd.f32 $1.000000000e+00, v41;
	(erf) = vrcp.f32 v8;
	v42 =	vpop (erf)  }
0x1b3: {  	v8 =	vadd.f32 $1.000000000e+00, v42;
	(erf) = vrcp.f32 v6;
	v43 =	vpop (erf)  }
0x1b4: {  	v6 =	vadd.f32 $1.000000000e+00, v43;
	(erf) = vrcp.f32 v7;
	v44 =	vpop (erf)  }
0x1b5: {  	v7 =	vadd.f32 $1.000000000e+00, v44;
	(erf) = vrcp.f32 v8  }
0x1b6: {  	(erf) = vrcp.f32 v6  }
0x1b7: {  	(erf) = vrcp.f32 v7  }
0x1b8: {  	p2 =	slt.s32 s19, s22;
	s11 =	sadd.s32 $0x1, s19  }
0x1b9: {  	s20 =	sadd.s32 $0x2, s19;
	v45 =	vpsel p2, v4, v5;
	p5 =	slt.s32 s11, s22;
	v46 =	vpop (erf)  }
0x1ba: {  	s21 =	sadd.s32 $0x3, s19;
	p6 =	slt.s32 s20, s22;
	v47 =	vpsel p5, v4, v5;
	v6 =	vmul.f32 v46, v45;
	v48 =	vpop (erf)  }
0x1bb: {  	s23 =	sadd.s32 $0x4, s19;
	p3 =	slt.s32 s21, s22;
	v49 =	vpsel p6, v4, v5;
	v7 =	vmul.f32 v48, v47;
	v50 =	vpop (erf)  }
0x1bc: {  	p4 =	slt.s32 s23, s22;
	s20 =	sadd.s32 $0x5, s19;
	v52 =	vpsel p3, v4, v5;
	[tilespmem:s18+$0xFFFFFF90] =	vst v6;
	v51 =	vmul.f32 v50, v49;
	v53 =	vpop (erf)  }
0x1bd: {  	s21 =	sadd.s32 $0x7, s19;
	v55 =	vpsel p4, v4, v5;
	p5 =	slt.s32 s20, s22;
	[tilespmem:s18+$0xFFFFFFA0] =	vst v7;
	v54 =	vmul.f32 v53, v52;
	v56 =	vpop (erf)  }
0x1be: {  	s23 =	sadd.s32 $0x6, s19;
	p6 =	slt.s32 s21, s22;
	v58 =	vpsel p5, v4, v5;
	[tilespmem:s18+$0xFFFFFFB0] =	vst v51;
	v57 =	vmul.f32 v56, v55;
	v59 =	vpop (erf)  }
0x1bf: {  	p3 =	slt.s32 s23, s22;
	v61 =	vpsel p6, v4, v5;
	[tilespmem:s18+$0xFFFFFFC0] =	vst v54;
	v60 =	vmul.f32 v59, v58;
	v62 =	vpop (erf)  }
0x1c0: {  	v4 =	vpsel p3, v4, v5;
	[tilespmem:s18+$0xFFFFFFD0] =	vst v57;
	v5 =	vmul.f32 v62, v61;
	v63 =	vpop (erf)  }
0x1c1: {  	[tilespmem:s18+$0xFFFFFFE0] =	vst v60;
	v4 =	vmul.f32 v63, v4  }
0x1c2: {  	[tilespmem:s18+$0x0] =	vst v5  }
0x1c3: {  	[tilespmem:s18+$0xFFFFFFF0] =	vst v4  }
0x1c4: {  	[hbm4b:s26+s3] =	stream.linear.scatter [tilespmem:s14], [sflag:$0x3], $0xA00, $0x38;
	[tilespmem:$0x182C0] =	vst v63  }
0x1c5: {  	_ =	swait.ge [sflag:s16], $0xA00  }
0x1c6: {  	[sflag:s16] =	ssyncset.done $0x0  }
0x1c7: {  	[sflag:s16] =	ssyncadd.s32 $0xFFFFF600  }
0x1c8: {  	_ =	swait.ge [sflag:s16], $0xA00  }
0x1c9: {  	[sflag:s16] =	ssyncset.done $0x0  }
0x1ca: {  	s17 =	sadd.s32 $0x1, s17;
	[sflag:s16] =	ssyncadd.s32 $0xFFFFF600  }
0x1cb: {  	p2 =	sne.s32 s17, s28;
	_ =	swait.ge [sflag:s16], $0xA00  }
.Ltmp4:
0x1cc: {  	[sflag:s16] =	ssyncset.done $0x0;
	(pc) =	sbr.rel @p2 .LBB2_1-.Ltmp4, $4  }
0x1cd: {  	[sflag:s16] =	ssyncadd.s32 $0xFFFFF600  }
0x1ce: {  	_ =	swait.ge [sflag:s16], $0xA00  }
0x1cf: {  	[sflag:s16] =	ssyncset.done $0x0  }
0x1d0: {  	s23 =	simm.s32 $0x2800;
	[sflag:s16] =	ssyncadd.s32 $0xFFFFF600  }
0x1d1: {  	_ =	sfence.sel $0x180000  }
0x1d2: {  	[bflag:$0x0] =	sbarrier.arrive $0xFFFF  }
0x1d3: {  	_ =	strace $0x90000047  }
0x1d4: {  	s0 =	stileid.u32;
	[bflag:$0x2] =	sbarrier.arrive $0xFFFF  }
0x1d5: {  	p0 =	sne.s32 s0, $0x0;
	s0 =	rddreg [dreg:$0x3]  }
0x1d6: {  	s0 =	sadd.s32 @!p0 $0x100000, s0  }
0x1d7: {  	[sflag:s0] =	ssyncadd.tile.s32 @!p0 $0x1;
	_ =	shalt  }
.Lfunc_end2:
_tile_overlayer_lowered:
.L_overlay_start_2:
0x1d8: {  	(tag) =	ssettag $0x2  }
0x1d9: {  	s0 =	rddreg [dreg:$0x0];
	s2 =	stileid.u32  }
0x1da: {  	s1 =	rddreg [dreg:$0x1];
	p0 =	sne.s32 s2, $0x0  }
0x1db: {  	s3 =	rddreg [dreg:$0x2];
	[bflag:$0x3] =	sbarrier.arrive $0xFFFF;
	s2 =	simm.s32 @!p0 $0x1C04  }
0x1dc: {  	[timem:s3], [sflag:s2] =	dma.local @!p0 [hbm:s0], s1  }
0x1dd: {  	s0 =	simm.s32 @!p0 $0x4  }
0x1de: {  	_ =	swait.ge @!p0 [sflag:s0], s1  }
0x1df: {  	s1 =	ssub.s32 @!p0 $0x0, s1;
	[sflag:s0] =	ssyncset.done @!p0 $0x0  }
0x1e0: {  	[sflag:s0] =	ssyncadd.s32 @!p0 s1  }
0x1e1: {  	[bflag:$0x3] =	sbarrier.arrive $0xFFFF  }
0x1e2: {  	_ =	shalt  }

</sc_bundles>
